<compile_context>
chip_gen: v7x
topology: tpu7x:2x2x1
jax: 0.10.2.dev20260603
libtpu: 0.0.44.dev20260713+nightly
codegen_flags: <defaults>
</compile_context>

<pallas_src>
import functools

import jax
import jax.numpy as jnp
from jax import lax
from jax.experimental import pallas as pl
from jax.experimental.pallas import tpu as pltpu
from jax.experimental.pallas import tpu_sc as plsc

_THR = 0.9
_NP = 512
_NW = 32
_L = 16
_H = 128


def _prep_body(x_ref, wl_ref, bl_ref, wr_ref, brc_ref, xl_ref, xrt_ref):
    x = x_ref[0]
    xl_ref[0] = jnp.dot(x, wl_ref[...], preferred_element_type=jnp.float32) + bl_ref[...]
    xrt_ref[0] = jax.lax.dot_general(
        wr_ref[...], x, (((0,), (1,)), ((), ())),
        preferred_element_type=jnp.float32) + brc_ref[...]


def _sc_gat_body(vblk_hbm, xl_hbm, xrt_hbm, attsp_hbm, wesp_hbm, out_hbm,
                 xl_sh, vcol_v, xl_v, xr_v, attsp_v, wesp_v, srcs_v, avals_v,
                 alpha_v, agg_v):
    T = xl_hbm.shape[0]
    c = lax.axis_index("c")
    s = lax.axis_index("s")
    w = s * 2 + c
    shchunk = xl_hbm.shape[1] // 16
    pltpu.sync_copy(vblk_hbm.at[w], vcol_v)
    pltpu.sync_copy(attsp_hbm, attsp_v)
    pltpu.sync_copy(wesp_hbm, wesp_v)
    lane = lax.broadcasted_iota(jnp.int32, (_L,), 0)
    zeros = jnp.zeros((_L,), jnp.float32)

    def build(i, kcnt):
        v = vcol_v[pl.ds(i * _L, _L)]
        a = 1.0 / (1.0 + jnp.exp(-v))
        m = a > _THR
        pos = kcnt * _L + lane
        plsc.store_scatter(srcs_v, [pos],
                           jnp.full((_L,), i, jnp.int32), mask=m)
        plsc.store_scatter(avals_v, [pos], a, mask=m)
        return kcnt + m.astype(jnp.int32)

    kcnt = lax.fori_loop(0, _NP, build, jnp.zeros((_L,), jnp.int32))
    kmax = jnp.max(kcnt)

    def per_t(t, _):
        sl = pl.ds(s * shchunk, shchunk)
        pltpu.sync_copy(xl_hbm.at[t, sl], xl_sh.at[sl])
        plsc.subcore_barrier()
        pltpu.sync_copy(xl_sh, xl_v)
        plsc.subcore_barrier()
        pltpu.sync_copy(xrt_hbm.at[w, t], xr_v)

        @plsc.parallel_loop(0, kmax, carry=jnp.full((_L,), -1e30, jnp.float32))
        def alpha_k(k, rmax):
            pos = k * _L + lane
            srck = plsc.load_gather(srcs_v, [pos])
            msk = k < kcnt
            avk = plsc.load_gather(avals_v, [pos])
            base = srck * _H

            @plsc.parallel_loop(0, _H, unroll=8, carry=zeros)
            def chunk(o, acc):
                g = plsc.load_gather(xl_v, [base + o], mask=msk)
                z = g + xr_v[pl.ds(o * _L, _L)] + avk * wesp_v[pl.ds(o * _L, _L)]
                return acc + attsp_v[pl.ds(o * _L, _L)] * jnp.maximum(z, 0.2 * z)

            a_e = jnp.where(msk, chunk, -1e30)
            plsc.store_scatter(alpha_v, [pos], a_e)
            return jnp.maximum(rmax, a_e)

        rmax = alpha_k

        @plsc.parallel_loop(0, kmax, unroll=4, carry=zeros)
        def ex_k(k, den):
            pos = k * _L + lane
            msk = k < kcnt
            ex = jnp.where(msk, jnp.exp(plsc.load_gather(alpha_v, [pos]) - rmax), 0.0)
            plsc.store_scatter(alpha_v, [pos], ex)
            return den + ex

        den = ex_k
        inv = 1.0 / jnp.where(den > 0.0, den, 1.0)

        @plsc.parallel_loop(0, _H, unroll=8)
        def _zero(o):
            agg_v[pl.ds(o * _L, _L)] = zeros

        def agg_k(k, _v):
            pos = k * _L + lane
            srck = plsc.load_gather(srcs_v, [pos])
            msk = k < kcnt
            wk = plsc.load_gather(alpha_v, [pos]) * inv
            base = srck * _H

            @plsc.parallel_loop(0, _H, unroll=8)
            def _inner(o):
                g = plsc.load_gather(xl_v, [base + o], mask=msk)
                sl = pl.ds(o * _L, _L)
                agg_v[sl] = agg_v[sl] + wk * g
            return 0

        lax.fori_loop(0, kmax, agg_k, 0)
        pltpu.sync_copy(agg_v, out_hbm.at[w, t])
        return 0

    lax.fori_loop(0, T, per_t, 0)


def _gatout_body(aggt_ref, wfc_ref, bg_ref, bfc_ref, out_ref):
    aggt = aggt_ref[0]
    out = jax.lax.dot_general(aggt, wfc_ref[...], (((0,), (0,)), ((), ())),
                              preferred_element_type=jnp.float32)
    base = jnp.dot(bg_ref[...], wfc_ref[...],
                   preferred_element_type=jnp.float32) + bfc_ref[...]
    out_ref[0] = out + base


def _proj_body(s_ref, w_ref, b_ref, o_ref):
    @pl.when(pl.program_id(0) == 0)
    def _():
        o_ref[...] = jnp.broadcast_to(b_ref[...], o_ref.shape)
    o_ref[...] += jax.lax.dot_general(
        s_ref[...], w_ref[...], (((1,), (1,)), ((), ())),
        preferred_element_type=jnp.float32)


def _lstm_body(g0_ref, whh0_ref, bhh0_ref, wih1_ref, bih1_ref,
               whh1_ref, bhh1_ref, wout_ref, bout_ref, o_ref):
    HID = whh0_ref.shape[0]

    def cell(g, c):
        i_ = jax.nn.sigmoid(g[:, 0 * HID:1 * HID])
        f_ = jax.nn.sigmoid(g[:, 1 * HID:2 * HID])
        g_ = jnp.tanh(g[:, 2 * HID:3 * HID])
        o_ = jax.nn.sigmoid(g[:, 3 * HID:4 * HID])
        c = f_ * c + i_ * g_
        return o_ * jnp.tanh(c), c

    def step(t, carry):
        h0, c0, h1, c1 = carry
        g = g0_ref[t] + jax.lax.dot_general(
            h0, whh0_ref[...], (((1,), (0,)), ((), ())),
            preferred_element_type=jnp.float32) + bhh0_ref[...]
        h0, c0 = cell(g, c0)
        g1 = (jax.lax.dot_general(h0, wih1_ref[...], (((1,), (0,)), ((), ())),
                                  preferred_element_type=jnp.float32)
              + bih1_ref[...]
              + jax.lax.dot_general(h1, whh1_ref[...], (((1,), (0,)), ((), ())),
                                    preferred_element_type=jnp.float32)
              + bhh1_ref[...])
        h1, c1 = cell(g1, c1)
        return h0, c0, h1, c1

    z = jnp.zeros((2, HID), jnp.float32)
    T = g0_ref.shape[0]
    h0, c0, h1, c1 = lax.fori_loop(0, T, step, (z, z, z, z))
    o_ref[...] = jnp.dot(h1, wout_ref[...], preferred_element_type=jnp.float32) + bout_ref[...]


def kernel(X, V_Adap, Wl, bl, Wr, br, We, att, bias_gat, Wfc, bfc,
           Wih0, Whh0, bih0, bhh0, Wih1, Whh1, bih1, bhh1, Wout, bout):
    B, T, N, F = X.shape
    H = Wl.shape[1]
    OUT = Wfc.shape[1]
    HID = Whh0.shape[1]
    NC = Wout.shape[1]
    NP = _NP

    X0 = jnp.pad(X[0], ((0, 0), (0, NP - N), (0, 0)))
    Vp = jnp.pad(V_Adap, ((0, NP - N), (0, NP - N)), constant_values=-100.0)

    row = lambda v: v.reshape(1, -1)
    full = lambda shape: pl.BlockSpec(shape, lambda t: (0,) * len(shape))

    xl_all, xrt_all = pl.pallas_call(
        _prep_body,
        grid=(T,),
        in_specs=[
            pl.BlockSpec((1, NP, F), lambda t: (t, 0, 0)),
            full((F, H)), full((1, H)), full((F, H)), full((H, 1)),
        ],
        out_specs=[
            pl.BlockSpec((1, NP, H), lambda t: (t, 0, 0)),
            pl.BlockSpec((1, H, NP), lambda t: (t, 0, 0)),
        ],
        out_shape=[
            jax.ShapeDtypeStruct((T, NP, H), jnp.float32),
            jax.ShapeDtypeStruct((T, H, NP), jnp.float32),
        ],
    )(X0, Wl, row(bl), Wr, br.reshape(H, 1))

    vblk = Vp.reshape(NP, _NW, _L).transpose(1, 0, 2).reshape(_NW, NP * _L)
    xl_flat = xl_all.reshape(T, NP * H)
    xrt_sc = xrt_all.reshape(T, H, _NW, _L).transpose(2, 0, 1, 3).reshape(_NW, T, H * _L)
    attsp = jnp.broadcast_to(att[:, None], (H, _L)).reshape(H * _L)
    wesp = jnp.broadcast_to(We.reshape(H)[:, None], (H, _L)).reshape(H * _L)

    mesh = plsc.VectorSubcoreMesh(core_axis_name="c", subcore_axis_name="s")
    sc_gat = functools.partial(
        pl.kernel, mesh=mesh,
        compiler_params=pltpu.CompilerParams(needs_layout_passes=False),
        out_type=jax.ShapeDtypeStruct((_NW, T, H * _L), jnp.float32),
        scratch_types=[
            pltpu.VMEM_SHARED((NP * H,), jnp.float32),
            pltpu.VMEM((NP * _L,), jnp.float32),
            pltpu.VMEM((NP * H,), jnp.float32),
            pltpu.VMEM((H * _L,), jnp.float32),
            pltpu.VMEM((H * _L,), jnp.float32),
            pltpu.VMEM((H * _L,), jnp.float32),
            pltpu.VMEM((NP * _L,), jnp.int32),
            pltpu.VMEM((NP * _L,), jnp.float32),
            pltpu.VMEM((NP * _L,), jnp.float32),
            pltpu.VMEM((H * _L,), jnp.float32),
        ],
    )(_sc_gat_body)
    agg_sc = sc_gat(vblk, xl_flat, xrt_sc, attsp, wesp)

    aggt_all = agg_sc.reshape(_NW, T, H, _L).transpose(1, 2, 0, 3).reshape(T, H, NP)

    gat_out = pl.pallas_call(
        _gatout_body,
        grid=(T,),
        in_specs=[
            pl.BlockSpec((1, H, NP), lambda t: (t, 0, 0)),
            full((H, OUT)), full((1, H)), full((1, OUT)),
        ],
        out_specs=pl.BlockSpec((1, NP, OUT), lambda t: (t, 0, 0)),
        out_shape=jax.ShapeDtypeStruct((T, NP, OUT), jnp.float32),
    )(aggt_all, Wfc, row(bias_gat), row(bfc))

    S0 = gat_out[:, :N, :].reshape(T, N * OUT)
    crow = gat_out[0, NP - 1, :]
    xconst = jnp.tile(crow, N)
    S = jnp.stack([S0, jnp.broadcast_to(xconst, (T, N * OUT))], axis=1)
    S = S.reshape(2 * T, N * OUT)

    K = N * OUT
    KT = 3200
    G0 = pl.pallas_call(
        _proj_body,
        grid=(K // KT,),
        in_specs=[
            pl.BlockSpec((2 * T, KT), lambda k: (0, k)),
            pl.BlockSpec((4 * HID, KT), lambda k: (0, k)),
            pl.BlockSpec((1, 4 * HID), lambda k: (0, 0)),
        ],
        out_specs=pl.BlockSpec((2 * T, 4 * HID), lambda k: (0, 0)),
        out_shape=jax.ShapeDtypeStruct((2 * T, 4 * HID), jnp.float32),
    )(S, Wih0, row(bih0))

    Wout_p = jnp.pad(Wout, ((0, 0), (0, 128 - NC)))
    bout_p = jnp.pad(bout, ((0, 128 - NC)))

    out2 = pl.pallas_call(
        _lstm_body,
        out_shape=jax.ShapeDtypeStruct((2, 128), jnp.float32),
    )(G0.reshape(T, 2, 4 * HID), Whh0.T.reshape(HID, 4 * HID), row(bhh0),
      Wih1.T.reshape(HID, 4 * HID), row(bih1),
      Whh1.T.reshape(HID, 4 * HID), row(bhh1),
      Wout_p, row(bout_p))

    res0 = out2[0, :NC]
    resc = out2[1, :NC]
    return jnp.concatenate([res0[None, :], jnp.broadcast_to(resc, (B - 1, NC))], axis=0)

# --- scband reference (transcript-rebuilt; emitter-appended) ---
"""Pipeline reference for scband-static-stgat-67671504715850 (READ-ONLY COPY).

The authoritative reference and input builder live on the scoring server;
editing this copy changes nothing except your own understanding.
"""

import jax, jax.numpy as jnp
import numpy as np

B, T, N, F = 16, 20, 500, 128
H, OUT, HID, NC, THR = 128, 32, 256, 10, 0.9


def setup_inputs(seed: int = 0):
    key = jax.random.key(seed)
    ks = jax.random.split(key, 16)

    def w(k, shape):
        return jax.random.normal(k, shape, dtype=jnp.float32) * 0.05

    inp = {
        "X": jax.random.normal(ks[0], (B, T, N, F), dtype=jnp.float32),
        "V_Adap": jax.random.normal(ks[1], (N, N), dtype=jnp.float32),
        "Wl": w(ks[2], (F, H)), "bl": jnp.zeros((H,), jnp.float32),
        "Wr": w(ks[3], (F, H)), "br": jnp.zeros((H,), jnp.float32),
        "We": w(ks[4], (1, H)),
        "att": w(ks[5], (H,)),
        "bias_gat": jnp.zeros((H,), jnp.float32),
        "Wfc": w(ks[6], (H, OUT)), "bfc": jnp.zeros((OUT,), jnp.float32),
        "Wih0": w(ks[7], (4 * HID, OUT * N)), "Whh0": w(ks[8], (4 * HID, HID)),
        "bih0": jnp.zeros((4 * HID,), jnp.float32), "bhh0": jnp.zeros((4 * HID,), jnp.float32),
        "Wih1": w(ks[9], (4 * HID, HID)), "Whh1": w(ks[10], (4 * HID, HID)),
        "bih1": jnp.zeros((4 * HID,), jnp.float32), "bhh1": jnp.zeros((4 * HID,), jnp.float32),
        "Wout": w(ks[11], (HID, NC)), "bout": jnp.zeros((NC,), jnp.float32),
    }
    return inp


def _forward(X, V_Adap, Wl, bl, Wr, br, We, att, bias_gat, Wfc, bfc,
             Wih0, Whh0, bih0, bhh0, Wih1, Whh1, bih1, bhh1, Wout, bout, src, dst, mask):
    Bb, Tt, Nn, Ff = X.shape
    # StaticAdaptiveAdjacencyLayer: sigmoid + threshold; indices are constants,
    # edge weights are differentiable gathered sigmoid values (matches torch nonzero semantics)
    A = jax.nn.sigmoid(V_Adap)
    ew = A[src, dst]
    # TrainableGATLayer: edge_index[:2].repeat(1, B) -- indices NOT offset per batch (faithful to original)
    src_rep = jnp.tile(src, Bb)
    dst_rep = jnp.tile(dst, Bb)
    ew_rep = jnp.tile(ew, Bb)
    mask_rep = jnp.tile(mask, Bb)
    segs = Bb * Nn

    def gat(x_flat):
        # GATv2Conv, heads=1, edge_dim=1
        x_l = x_flat @ Wl + bl
        x_r = x_flat @ Wr + br
        e = ew_rep[:, None] @ We
        m = jax.nn.leaky_relu(x_l[src_rep] + x_r[dst_rep] + e, 0.2)
        alpha = jnp.where(mask_rep, m @ att, -jnp.inf)
        amax = jax.ops.segment_max(alpha, dst_rep, num_segments=segs)
        ex = jnp.where(mask_rep, jnp.exp(alpha - amax[dst_rep]), 0.0)
        den = jax.ops.segment_sum(ex, dst_rep, num_segments=segs)
        a = jnp.where(mask_rep, ex / den[dst_rep], 0.0)
        agg = jax.ops.segment_sum(a[:, None] * x_l[src_rep], dst_rep, num_segments=segs) + bias_gat
        return agg @ Wfc + bfc

    seq = [gat(X[:, t].reshape(Bb * Nn, Ff)).reshape(Bb, Nn * OUT) for t in range(Tt)]
    S = jnp.stack(seq, axis=1)

    def lstm_layer(inp_seq, Wih, Whh, bih, bhh):
        h = jnp.zeros((inp_seq.shape[0], HID), inp_seq.dtype)
        c = jnp.zeros_like(h)
        outs = []
        for t in range(inp_seq.shape[1]):
            g = inp_seq[:, t] @ Wih.T + bih + h @ Whh.T + bhh
            i_, f_, g_, o_ = jnp.split(g, 4, axis=1)
            c = jax.nn.sigmoid(f_) * c + jax.nn.sigmoid(i_) * jnp.tanh(g_)
            h = jax.nn.sigmoid(o_) * jnp.tanh(c)
            outs.append(h)
        return jnp.stack(outs, axis=1)

    h1 = lstm_layer(S, Wih0, Whh0, bih0, bhh0)
    h2 = lstm_layer(h1, Wih1, Whh1, bih1, bhh1)
    return h2[:, -1] @ Wout + bout


def reference(X, V_Adap, Wl, bl, Wr, br, We, att, bias_gat, Wfc, bfc,
              Wih0, Whh0, bih0, bhh0, Wih1, Whh1, bih1, bhh1, Wout, bout):
    A0 = jax.nn.sigmoid(V_Adap)
    n = V_Adap.shape[0]
    src = jnp.repeat(jnp.arange(n, dtype=jnp.int32), n)
    dst = jnp.tile(jnp.arange(n, dtype=jnp.int32), n)
    mask = (A0 > THR).reshape(-1)
    return _forward(X, V_Adap, Wl, bl, Wr, br, We, att, bias_gat, Wfc, bfc,
                    Wih0, Whh0, bih0, bhh0, Wih1, Whh1, bih1, bhh1, Wout, bout, src, dst, mask)

if __name__ == "__main__":
    import jax
    _d = setup_inputs()
    print(jax.jit(kernel)(*tuple(_d.values())))

</pallas_src>

<mosaic_0001>
#map = affine_map<(d0, d1) -> (0, 0)>
#map1 = affine_map<(d0, d1) -> (0, 0, 0)>
#map2 = affine_map<(d0, d1) -> (0)>
module attributes {stable_mosaic.version = 14 : i64} {
  func.func @_sc_gat_body(%arg0: i32, %arg1: i32, %arg2: memref<32x8192xf32, #tpu.memory_space<hbm>>, %arg3: memref<20x65536xf32, #tpu.memory_space<hbm>>, %arg4: memref<32x20x2048xf32, #tpu.memory_space<hbm>>, %arg5: memref<2048xf32, #tpu.memory_space<hbm>>, %arg6: memref<2048xf32, #tpu.memory_space<hbm>>, %arg7: memref<32x20x2048xf32, #tpu.memory_space<hbm>>, %arg8: memref<65536xf32, #tpu.memory_space<vmem_shared>>, %arg9: memref<8192xf32, #tpu.memory_space<vmem>>, %arg10: memref<65536xf32, #tpu.memory_space<vmem>>, %arg11: memref<2048xf32, #tpu.memory_space<vmem>>, %arg12: memref<2048xf32, #tpu.memory_space<vmem>>, %arg13: memref<2048xf32, #tpu.memory_space<vmem>>, %arg14: memref<8192xi32, #tpu.memory_space<vmem>>, %arg15: memref<8192xf32, #tpu.memory_space<vmem>>, %arg16: memref<8192xf32, #tpu.memory_space<vmem>>, %arg17: memref<2048xf32, #tpu.memory_space<vmem>>) attributes {dimension_semantics = [#tpu.dimension_semantics<core_parallel>, #tpu.dimension_semantics<subcore_parallel>], iteration_bounds = array<i64: 2, 16>, scalar_prefetch = 0 : i64, scratch_operands = 10 : i64, tpu.core_type = #tpu.core_type<sc_vector_subcore>, window_params = [{transform_indices = #map}, {transform_indices = #map}, {transform_indices = #map1}, {transform_indices = #map2}, {transform_indices = #map2}, {transform_indices = #map1}]} {
    %mul3A = arith.constant 2 : i32
    %mul3A_0 = arith.muli %arg1, %mul3A : i32
    %add3A = arith.addi %mul3A_0, %arg0 : i32
    "tpu.region"() ({
      %run_scoped3A = tpu.sem_alloc : memref<!tpu.dma_semaphore, #tpu.memory_space<semaphore_mem>>
      %dma_start3A = arith.constant 0 : i32
      %dma_start3A_23 = tpu.memref_slice %arg2[%add3A, %dma_start3A] : memref<32x8192xf32, #tpu.memory_space<hbm>> -> memref<1x8192xf32, #tpu.memory_space<hbm>>
      %dma_start3A_24 = tpu.memref_squeeze %dma_start3A_23 : memref<1x8192xf32, #tpu.memory_space<hbm>> -> memref<8192xf32, #tpu.memory_space<hbm>>
      %dma_start3A_25 = arith.constant 0 : i32
      %dma_start3A_26 = tpu.memref_slice %arg2[%add3A, %dma_start3A_25] : memref<32x8192xf32, #tpu.memory_space<hbm>> -> memref<1x8192xf32, #tpu.memory_space<hbm>>
      %dma_start3A_27 = tpu.memref_squeeze %dma_start3A_26 : memref<1x8192xf32, #tpu.memory_space<hbm>> -> memref<8192xf32, #tpu.memory_space<hbm>>
      tpu.enqueue_dma source(%dma_start3A_27 : memref<8192xf32, #tpu.memory_space<hbm>>) target(%arg9 : memref<8192xf32, #tpu.memory_space<vmem>>) target_semaphore(%run_scoped3A : memref<!tpu.dma_semaphore, #tpu.memory_space<semaphore_mem>>)
      %dma_wait3A = arith.constant 0 : i32
      %dma_wait3A_28 = tpu.memref_slice %arg2[%add3A, %dma_wait3A] : memref<32x8192xf32, #tpu.memory_space<hbm>> -> memref<1x8192xf32, #tpu.memory_space<hbm>>
      %dma_wait3A_29 = tpu.memref_squeeze %dma_wait3A_28 : memref<1x8192xf32, #tpu.memory_space<hbm>> -> memref<8192xf32, #tpu.memory_space<hbm>>
      %dma_wait3A_30 = arith.constant 0 : i32
      %dma_wait3A_31 = tpu.memref_slice %arg2[%add3A, %dma_wait3A_30] : memref<32x8192xf32, #tpu.memory_space<hbm>> -> memref<1x8192xf32, #tpu.memory_space<hbm>>
      %dma_wait3A_32 = tpu.memref_squeeze %dma_wait3A_31 : memref<1x8192xf32, #tpu.memory_space<hbm>> -> memref<8192xf32, #tpu.memory_space<hbm>>
      tpu.wait_dma2 semaphore(%run_scoped3A : memref<!tpu.dma_semaphore, #tpu.memory_space<semaphore_mem>>) src(%dma_wait3A_32 : memref<8192xf32, #tpu.memory_space<hbm>>) dst(%arg9 : memref<8192xf32, #tpu.memory_space<vmem>>)
      tpu.yield
    }) : () -> ()
    "tpu.region"() ({
      %run_scoped3A = tpu.sem_alloc : memref<!tpu.dma_semaphore, #tpu.memory_space<semaphore_mem>>
      tpu.enqueue_dma source(%arg5 : memref<2048xf32, #tpu.memory_space<hbm>>) target(%arg12 : memref<2048xf32, #tpu.memory_space<vmem>>) target_semaphore(%run_scoped3A : memref<!tpu.dma_semaphore, #tpu.memory_space<semaphore_mem>>)
      tpu.wait_dma2 semaphore(%run_scoped3A : memref<!tpu.dma_semaphore, #tpu.memory_space<semaphore_mem>>) src(%arg5 : memref<2048xf32, #tpu.memory_space<hbm>>) dst(%arg12 : memref<2048xf32, #tpu.memory_space<vmem>>)
      tpu.yield
    }) : () -> ()
    "tpu.region"() ({
      %run_scoped3A = tpu.sem_alloc : memref<!tpu.dma_semaphore, #tpu.memory_space<semaphore_mem>>
      tpu.enqueue_dma source(%arg6 : memref<2048xf32, #tpu.memory_space<hbm>>) target(%arg13 : memref<2048xf32, #tpu.memory_space<vmem>>) target_semaphore(%run_scoped3A : memref<!tpu.dma_semaphore, #tpu.memory_space<semaphore_mem>>)
      tpu.wait_dma2 semaphore(%run_scoped3A : memref<!tpu.dma_semaphore, #tpu.memory_space<semaphore_mem>>) src(%arg6 : memref<2048xf32, #tpu.memory_space<hbm>>) dst(%arg13 : memref<2048xf32, #tpu.memory_space<vmem>>)
      tpu.yield
    }) : () -> ()
    %iota3A = tpu.iota {dimensions = array<i32: 0>} : vector<16xi32>
    %broadcast_in_dim3A = arith.constant 0.000000e+00 : f32
    %broadcast_in_dim3A_1 = vector.broadcast %broadcast_in_dim3A : f32 to vector<16xf32>
    %broadcast_in_dim3A_2 = arith.constant 0 : i32
    %broadcast_in_dim3A_3 = vector.broadcast %broadcast_in_dim3A_2 : i32 to vector<16xi32>
    %scan3A = arith.constant 0 : i32
    %scan3A_4 = arith.constant 512 : i32
    %scan3A_5 = arith.addi %scan3A, %scan3A_4 : i32
    %scan3A_6 = arith.constant 1 : i32
    %scan3A_7 = scf.for %scan3A_23 = %scan3A to %scan3A_5 step %scan3A_6 iter_args(%scan3A_24 = %broadcast_in_dim3A_3) -> (vector<16xi32>)  : i32 {
      %mul3A_25 = arith.constant 16 : i32
      %mul3A_26 = arith.muli %scan3A_23, %mul3A_25 : i32
      %get3A = arith.index_cast %mul3A_26 : i32 to index
      %get3A_27 = tpu.vector_load %arg9[%get3A] {strides = array<i32>} : memref<8192xf32, #tpu.memory_space<vmem>>, vector<16xf32>,
      %neg3A = arith.constant 0.000000e+00 : f32
      %neg3A_28 = vector.broadcast %neg3A : f32 to vector<16xf32>
      %neg3A_29 = arith.subf %neg3A_28, %get3A_27 : vector<16xf32>
      %exp3A = math.exp %neg3A_29 : vector<16xf32>
      %add3A_30 = arith.constant 1.000000e+00 : f32
      %add3A_31 = vector.broadcast %add3A_30 : f32 to vector<16xf32>
      %add3A_32 = arith.addf %add3A_31, %exp3A : vector<16xf32>
      %div3A = arith.constant 1.000000e+00 : f32
      %div3A_33 = vector.broadcast %div3A : f32 to vector<16xf32>
      %div3A_34 = arith.divf %div3A_33, %add3A_32 : vector<16xf32>
      %gt3A = arith.constant 0.899999976 : f32
      %gt3A_35 = vector.broadcast %gt3A : f32 to vector<16xf32>
      %gt3A_36 = arith.cmpf ogt, %div3A_34, %gt3A_35 : vector<16xf32>
      %mul3A_37 = arith.constant 16 : i32
      %mul3A_38 = vector.broadcast %mul3A_37 : i32 to vector<16xi32>
      %mul3A_39 = arith.muli %scan3A_24, %mul3A_38 : vector<16xi32>
      %add3A_40 = arith.addi %mul3A_39, %iota3A : vector<16xi32>
      %broadcast_in_dim3A_41 = vector.broadcast %scan3A_23 : i32 to vector<16xi32>
      tpu.vector_store_idx %arg14[%add3A_40], %broadcast_in_dim3A_41 masked %gt3A_36 : memref<8192xi32, #tpu.memory_space<vmem>>[vector<16xi32>], vector<16xi32>, vector<16xi1>
      tpu.vector_store_idx %arg15[%add3A_40], %div3A_34 masked %gt3A_36 : memref<8192xf32, #tpu.memory_space<vmem>>[vector<16xi32>], vector<16xf32>, vector<16xi1>
      %convert_element_type3A = arith.extui %gt3A_36 : vector<16xi1> to vector<16xi32>
      %add3A_42 = arith.addi %scan3A_24, %convert_element_type3A : vector<16xi32>
      scf.yield %add3A_42 : vector<16xi32>
    }
    %scan3A_8 = arith.constant 512 : i32
    %reduce_max3A = arith.constant true
    %reduce_max3A_9 = vector.broadcast %reduce_max3A : i1 to vector<16xi1>
    %reduce_max3A_10 = arith.constant -2147483648 : i32
    %reduce_max3A_11 = vector.broadcast %reduce_max3A_10 : i32 to vector<16xi32>
    %reduce_max3A_12 = arith.xori %scan3A_7, %reduce_max3A_11 : vector<16xi32>
    %reduce_max3A_13 = tpu.scan <max>, %reduce_max3A_12 masked %reduce_max3A_9 : vector<16xi32>, vector<16xi1> -> vector<16xi32>
    %reduce_max3A_14 = arith.xori %reduce_max3A_13, %reduce_max3A_11 : vector<16xi32>
    %reduce_max3A_15 = vector.extract %reduce_max3A_14[15] : i32 from vector<16xi32>
    %scan3A_16 = arith.constant 0 : i32
    %scan3A_17 = arith.constant 0 : i32
    %scan3A_18 = arith.constant 20 : i32
    %scan3A_19 = arith.addi %scan3A_17, %scan3A_18 : i32
    %scan3A_20 = arith.constant 1 : i32
    %scan3A_21 = scf.for %scan3A_23 = %scan3A_17 to %scan3A_19 step %scan3A_20 iter_args(%scan3A_24 = %scan3A_16) -> (i32)  : i32 {
      %mul3A_25 = arith.constant 4096 : i32
      %mul3A_26 = arith.muli %arg1, %mul3A_25 : i32
      "tpu.region"() ({
        %run_scoped3A = tpu.sem_alloc : memref<!tpu.dma_semaphore, #tpu.memory_space<semaphore_mem>>
        %dma_start3A = tpu.memref_slice %arg8[%mul3A_26] : memref<65536xf32, #tpu.memory_space<vmem_shared>> -> memref<4096xf32, #tpu.memory_space<vmem_shared>>
        %dma_start3A_55 = tpu.memref_slice %arg3[%scan3A_23, %mul3A_26] : memref<20x65536xf32, #tpu.memory_space<hbm>> -> memref<1x4096xf32, #tpu.memory_space<hbm>>
        %dma_start3A_56 = tpu.memref_squeeze %dma_start3A_55 : memref<1x4096xf32, #tpu.memory_space<hbm>> -> memref<4096xf32, #tpu.memory_space<hbm>>
        tpu.enqueue_dma source(%dma_start3A_56 : memref<4096xf32, #tpu.memory_space<hbm>>) target(%dma_start3A : memref<4096xf32, #tpu.memory_space<vmem_shared>>) target_semaphore(%run_scoped3A : memref<!tpu.dma_semaphore, #tpu.memory_space<semaphore_mem>>)
        %dma_wait3A = tpu.memref_slice %arg8[%mul3A_26] : memref<65536xf32, #tpu.memory_space<vmem_shared>> -> memref<4096xf32, #tpu.memory_space<vmem_shared>>
        %dma_wait3A_57 = tpu.memref_slice %arg3[%scan3A_23, %mul3A_26] : memref<20x65536xf32, #tpu.memory_space<hbm>> -> memref<1x4096xf32, #tpu.memory_space<hbm>>
        %dma_wait3A_58 = tpu.memref_squeeze %dma_wait3A_57 : memref<1x4096xf32, #tpu.memory_space<hbm>> -> memref<4096xf32, #tpu.memory_space<hbm>>
        tpu.wait_dma2 semaphore(%run_scoped3A : memref<!tpu.dma_semaphore, #tpu.memory_space<semaphore_mem>>) src(%dma_wait3A_58 : memref<4096xf32, #tpu.memory_space<hbm>>) dst(%dma_wait3A : memref<4096xf32, #tpu.memory_space<vmem_shared>>)
        tpu.yield
      }) : () -> ()
      %barrier3A = arith.constant 0 : index
      tpu.barrier barrier_id(%barrier3A)
      "tpu.region"() ({
        %run_scoped3A = tpu.sem_alloc : memref<!tpu.dma_semaphore, #tpu.memory_space<semaphore_mem>>
        tpu.enqueue_dma source(%arg8 : memref<65536xf32, #tpu.memory_space<vmem_shared>>) target(%arg10 : memref<65536xf32, #tpu.memory_space<vmem>>) target_semaphore(%run_scoped3A : memref<!tpu.dma_semaphore, #tpu.memory_space<semaphore_mem>>)
        tpu.wait_dma2 semaphore(%run_scoped3A : memref<!tpu.dma_semaphore, #tpu.memory_space<semaphore_mem>>) src(%arg8 : memref<65536xf32, #tpu.memory_space<vmem_shared>>) dst(%arg10 : memref<65536xf32, #tpu.memory_space<vmem>>)
        tpu.yield
      }) : () -> ()
      %barrier3A_27 = arith.constant 0 : index
      tpu.barrier barrier_id(%barrier3A_27)
      "tpu.region"() ({
        %run_scoped3A = tpu.sem_alloc : memref<!tpu.dma_semaphore, #tpu.memory_space<semaphore_mem>>
        %dma_start3A = arith.constant 0 : i32
        %dma_start3A_55 = tpu.memref_slice %arg4[%add3A, %scan3A_23, %dma_start3A] : memref<32x20x2048xf32, #tpu.memory_space<hbm>> -> memref<1x1x2048xf32, #tpu.memory_space<hbm>>
        %dma_start3A_56 = tpu.memref_squeeze %dma_start3A_55 : memref<1x1x2048xf32, #tpu.memory_space<hbm>> -> memref<2048xf32, #tpu.memory_space<hbm>>
        %dma_start3A_57 = arith.constant 0 : i32
        %dma_start3A_58 = tpu.memref_slice %arg4[%add3A, %scan3A_23, %dma_start3A_57] : memref<32x20x2048xf32, #tpu.memory_space<hbm>> -> memref<1x1x2048xf32, #tpu.memory_space<hbm>>
        %dma_start3A_59 = tpu.memref_squeeze %dma_start3A_58 : memref<1x1x2048xf32, #tpu.memory_space<hbm>> -> memref<2048xf32, #tpu.memory_space<hbm>>
        tpu.enqueue_dma source(%dma_start3A_59 : memref<2048xf32, #tpu.memory_space<hbm>>) target(%arg11 : memref<2048xf32, #tpu.memory_space<vmem>>) target_semaphore(%run_scoped3A : memref<!tpu.dma_semaphore, #tpu.memory_space<semaphore_mem>>)
        %dma_wait3A = arith.constant 0 : i32
        %dma_wait3A_60 = tpu.memref_slice %arg4[%add3A, %scan3A_23, %dma_wait3A] : memref<32x20x2048xf32, #tpu.memory_space<hbm>> -> memref<1x1x2048xf32, #tpu.memory_space<hbm>>
        %dma_wait3A_61 = tpu.memref_squeeze %dma_wait3A_60 : memref<1x1x2048xf32, #tpu.memory_space<hbm>> -> memref<2048xf32, #tpu.memory_space<hbm>>
        %dma_wait3A_62 = arith.constant 0 : i32
        %dma_wait3A_63 = tpu.memref_slice %arg4[%add3A, %scan3A_23, %dma_wait3A_62] : memref<32x20x2048xf32, #tpu.memory_space<hbm>> -> memref<1x1x2048xf32, #tpu.memory_space<hbm>>
        %dma_wait3A_64 = tpu.memref_squeeze %dma_wait3A_63 : memref<1x1x2048xf32, #tpu.memory_space<hbm>> -> memref<2048xf32, #tpu.memory_space<hbm>>
        tpu.wait_dma2 semaphore(%run_scoped3A : memref<!tpu.dma_semaphore, #tpu.memory_space<semaphore_mem>>) src(%dma_wait3A_64 : memref<2048xf32, #tpu.memory_space<hbm>>) dst(%arg11 : memref<2048xf32, #tpu.memory_space<vmem>>)
        tpu.yield
      }) : () -> ()
      %broadcast_in_dim3A_28 = arith.constant -1.000000e+30 : f32
      %broadcast_in_dim3A_29 = vector.broadcast %broadcast_in_dim3A_28 : f32 to vector<16xf32>
      %parallel_loop3A = arith.constant 0 : i32
      %parallel_loop3A_30 = arith.constant 1 : i32
      %parallel_loop3A_31 = scf.for %parallel_loop3A_55 = %parallel_loop3A to %reduce_max3A_15 step %parallel_loop3A_30 iter_args(%parallel_loop3A_56 = %broadcast_in_dim3A_29) -> (vector<16xf32>)  : i32 {
        %parallel_loop3A_57 = arith.constant 16 : i32
        %parallel_loop3A_58 = arith.muli %parallel_loop3A_55, %parallel_loop3A_57 : i32
        %parallel_loop3A_59 = vector.broadcast %parallel_loop3A_58 : i32 to vector<16xi32>
        %parallel_loop3A_60 = arith.addi %parallel_loop3A_59, %iota3A : vector<16xi32>
        %parallel_loop3A_61 = tpu.vector_load_idx %arg14[%parallel_loop3A_60] : memref<8192xi32, #tpu.memory_space<vmem>>[vector<16xi32>], vector<16xi32>,
        %parallel_loop3A_62 = vector.broadcast %parallel_loop3A_55 : i32 to vector<16xi32>
        %parallel_loop3A_63 = arith.cmpi slt, %parallel_loop3A_62, %scan3A_7 : vector<16xi32>
        %parallel_loop3A_64 = tpu.vector_load_idx %arg15[%parallel_loop3A_60] : memref<8192xf32, #tpu.memory_space<vmem>>[vector<16xi32>], vector<16xf32>,
        %parallel_loop3A_65 = arith.constant 128 : i32
        %parallel_loop3A_66 = vector.broadcast %parallel_loop3A_65 : i32 to vector<16xi32>
        %parallel_loop3A_67 = arith.muli %parallel_loop3A_61, %parallel_loop3A_66 : vector<16xi32>
        %parallel_loop3A_68 = arith.constant 0 : i32
        %parallel_loop3A_69 = arith.constant 128 : i32
        %parallel_loop3A_70 = arith.constant 1 : i32
        %parallel_loop3A_71 = scf.for %parallel_loop3A_76 = %parallel_loop3A_68 to %parallel_loop3A_69 step %parallel_loop3A_70 iter_args(%parallel_loop3A_77 = %broadcast_in_dim3A_1) -> (vector<16xf32>)  : i32 {
          %parallel_loop3A_78 = vector.broadcast %parallel_loop3A_76 : i32 to vector<16xi32>
          %parallel_loop3A_79 = arith.addi %parallel_loop3A_67, %parallel_loop3A_78 : vector<16xi32>
          %parallel_loop3A_80 = tpu.vector_load_idx %arg10[%parallel_loop3A_79] masked %parallel_loop3A_63 : memref<65536xf32, #tpu.memory_space<vmem>>[vector<16xi32>], vector<16xf32>, vector<16xi1>
          %parallel_loop3A_81 = arith.constant 16 : i32
          %parallel_loop3A_82 = arith.muli %parallel_loop3A_76, %parallel_loop3A_81 : i32
          %parallel_loop3A_83 = arith.index_cast %parallel_loop3A_82 : i32 to index
          %parallel_loop3A_84 = tpu.vector_load %arg11[%parallel_loop3A_83] {strides = array<i32>} : memref<2048xf32, #tpu.memory_space<vmem>>, vector<16xf32>,
          %parallel_loop3A_85 = arith.addf %parallel_loop3A_80, %parallel_loop3A_84 : vector<16xf32>
          %parallel_loop3A_86 = arith.constant 16 : i32
          %parallel_loop3A_87 = arith.muli %parallel_loop3A_76, %parallel_loop3A_86 : i32
          %parallel_loop3A_88 = arith.index_cast %parallel_loop3A_87 : i32 to index
          %parallel_loop3A_89 = tpu.vector_load %arg13[%parallel_loop3A_88] {strides = array<i32>} : memref<2048xf32, #tpu.memory_space<vmem>>, vector<16xf32>,
          %parallel_loop3A_90 = arith.mulf %parallel_loop3A_64, %parallel_loop3A_89 : vector<16xf32>
          %parallel_loop3A_91 = arith.addf %parallel_loop3A_85, %parallel_loop3A_90 : vector<16xf32>
          %parallel_loop3A_92 = arith.constant 16 : i32
          %parallel_loop3A_93 = arith.muli %parallel_loop3A_76, %parallel_loop3A_92 : i32
          %parallel_loop3A_94 = arith.index_cast %parallel_loop3A_93 : i32 to index
          %parallel_loop3A_95 = tpu.vector_load %arg12[%parallel_loop3A_94] {strides = array<i32>} : memref<2048xf32, #tpu.memory_space<vmem>>, vector<16xf32>,
          %parallel_loop3A_96 = arith.constant 2.000000e-01 : f32
          %parallel_loop3A_97 = vector.broadcast %parallel_loop3A_96 : f32 to vector<16xf32>
          %parallel_loop3A_98 = arith.mulf %parallel_loop3A_97, %parallel_loop3A_91 : vector<16xf32>
          %parallel_loop3A_99 = arith.maximumf %parallel_loop3A_91, %parallel_loop3A_98 : vector<16xf32>
          %parallel_loop3A_100 = arith.mulf %parallel_loop3A_95, %parallel_loop3A_99 : vector<16xf32>
          %parallel_loop3A_101 = arith.addf %parallel_loop3A_77, %parallel_loop3A_100 : vector<16xf32>
          scf.yield %parallel_loop3A_101 : vector<16xf32>
        } {sc.loop_unroll_factor = 8 : i64, sc.parallel_access}
        %parallel_loop3A_72 = arith.constant -1.000000e+30 : f32
        %parallel_loop3A_73 = vector.broadcast %parallel_loop3A_72 : f32 to vector<16xf32>
        %parallel_loop3A_74 = arith.select %parallel_loop3A_63, %parallel_loop3A_71, %parallel_loop3A_73 : vector<16xi1>, vector<16xf32>
        tpu.vector_store_idx %arg16[%parallel_loop3A_60], %parallel_loop3A_74 : memref<8192xf32, #tpu.memory_space<vmem>>[vector<16xi32>], vector<16xf32>,
        %parallel_loop3A_75 = arith.maximumf %parallel_loop3A_56, %parallel_loop3A_74 : vector<16xf32>
        scf.yield %parallel_loop3A_75 : vector<16xf32>
      } {sc.loop_unroll_factor = 1 : i64, sc.parallel_access}
      %parallel_loop3A_32 = arith.constant 0 : i32
      %parallel_loop3A_33 = arith.constant 1 : i32
      %parallel_loop3A_34 = scf.for %parallel_loop3A_55 = %parallel_loop3A_32 to %reduce_max3A_15 step %parallel_loop3A_33 iter_args(%parallel_loop3A_56 = %broadcast_in_dim3A_1) -> (vector<16xf32>)  : i32 {
        %parallel_loop3A_57 = arith.constant 16 : i32
        %parallel_loop3A_58 = arith.muli %parallel_loop3A_55, %parallel_loop3A_57 : i32
        %parallel_loop3A_59 = vector.broadcast %parallel_loop3A_58 : i32 to vector<16xi32>
        %parallel_loop3A_60 = arith.addi %parallel_loop3A_59, %iota3A : vector<16xi32>
        %parallel_loop3A_61 = vector.broadcast %parallel_loop3A_55 : i32 to vector<16xi32>
        %parallel_loop3A_62 = arith.cmpi slt, %parallel_loop3A_61, %scan3A_7 : vector<16xi32>
        %parallel_loop3A_63 = tpu.vector_load_idx %arg16[%parallel_loop3A_60] : memref<8192xf32, #tpu.memory_space<vmem>>[vector<16xi32>], vector<16xf32>,
        %parallel_loop3A_64 = arith.subf %parallel_loop3A_63, %parallel_loop3A_31 : vector<16xf32>
        %parallel_loop3A_65 = math.exp %parallel_loop3A_64 : vector<16xf32>
        %parallel_loop3A_66 = arith.constant 0.000000e+00 : f32
        %parallel_loop3A_67 = vector.broadcast %parallel_loop3A_66 : f32 to vector<16xf32>
        %parallel_loop3A_68 = arith.select %parallel_loop3A_62, %parallel_loop3A_65, %parallel_loop3A_67 : vector<16xi1>, vector<16xf32>
        tpu.vector_store_idx %arg16[%parallel_loop3A_60], %parallel_loop3A_68 : memref<8192xf32, #tpu.memory_space<vmem>>[vector<16xi32>], vector<16xf32>,
        %parallel_loop3A_69 = arith.addf %parallel_loop3A_56, %parallel_loop3A_68 : vector<16xf32>
        scf.yield %parallel_loop3A_69 : vector<16xf32>
      } {sc.loop_unroll_factor = 4 : i64, sc.parallel_access}
      %gt3A = arith.constant 0.000000e+00 : f32
      %gt3A_35 = vector.broadcast %gt3A : f32 to vector<16xf32>
      %gt3A_36 = arith.cmpf ogt, %parallel_loop3A_34, %gt3A_35 : vector<16xf32>
      %jit3A = arith.constant 1.000000e+00 : f32
      %broadcast_in_dim3A_37 = vector.broadcast %jit3A : f32 to vector<16xf32>
      %select_n3A = arith.select %gt3A_36, %parallel_loop3A_34, %broadcast_in_dim3A_37 : vector<16xi1>, vector<16xf32>
      %div3A = arith.constant 1.000000e+00 : f32
      %div3A_38 = vector.broadcast %div3A : f32 to vector<16xf32>
      %div3A_39 = arith.divf %div3A_38, %select_n3A : vector<16xf32>
      %parallel_loop3A_40 = arith.constant 0 : i32
      %parallel_loop3A_41 = arith.constant 128 : i32
      %parallel_loop3A_42 = arith.constant 1 : i32
      scf.for %parallel_loop3A_55 = %parallel_loop3A_40 to %parallel_loop3A_41 step %parallel_loop3A_42  : i32 {
        %parallel_loop3A_56 = arith.constant 16 : i32
        %parallel_loop3A_57 = arith.muli %parallel_loop3A_55, %parallel_loop3A_56 : i32
        %parallel_loop3A_58 = arith.index_cast %parallel_loop3A_57 : i32 to index
        %parallel_loop3A_59 = tpu.vector_load %arg17[%parallel_loop3A_58] {strides = array<i32>} : memref<2048xf32, #tpu.memory_space<vmem>>, vector<16xf32>,
        tpu.vector_store %arg17[%parallel_loop3A_58], %broadcast_in_dim3A_1 {strides = array<i32>} : memref<2048xf32, #tpu.memory_space<vmem>>, vector<16xf32>,
      } {sc.loop_unroll_factor = 8 : i64, sc.parallel_access}
      %while3A = arith.constant 0 : i32
      %while3A_43 = arith.constant 0 : i32
      %while3A_44 = arith.subi %reduce_max3A_15, %while3A : i32
      %while3A_45 = arith.addi %while3A, %while3A_44 : i32
      %while3A_46 = arith.constant 1 : i32
      %while3A_47 = arith.divsi %while3A_44, %while3A_46 : i32
      %while3A_48 = arith.muli %while3A_47, %while3A_46 : i32
      %while3A_49 = arith.addi %while3A, %while3A_48 : i32
      %while3A_50 = arith.constant 1 : i32
      %while3A_51 = scf.for %while3A_55 = %while3A to %while3A_49 step %while3A_50 iter_args(%while3A_56 = %while3A_43) -> (i32)  : i32 {
        %mul3A_57 = arith.constant 16 : i32
        %mul3A_58 = arith.muli %while3A_55, %mul3A_57 : i32
        %add3A_59 = vector.broadcast %mul3A_58 : i32 to vector<16xi32>
        %add3A_60 = arith.addi %add3A_59, %iota3A : vector<16xi32>
        %gather3A = tpu.vector_load_idx %arg14[%add3A_60] : memref<8192xi32, #tpu.memory_space<vmem>>[vector<16xi32>], vector<16xi32>,
        %lt3A = vector.broadcast %while3A_55 : i32 to vector<16xi32>
        %lt3A_61 = arith.cmpi slt, %lt3A, %scan3A_7 : vector<16xi32>
        %gather3A_62 = tpu.vector_load_idx %arg16[%add3A_60] : memref<8192xf32, #tpu.memory_space<vmem>>[vector<16xi32>], vector<16xf32>,
        %mul3A_63 = arith.mulf %gather3A_62, %div3A_39 : vector<16xf32>
        %mul3A_64 = arith.constant 128 : i32
        %mul3A_65 = vector.broadcast %mul3A_64 : i32 to vector<16xi32>
        %mul3A_66 = arith.muli %gather3A, %mul3A_65 : vector<16xi32>
        %parallel_loop3A_67 = arith.constant 0 : i32
        %parallel_loop3A_68 = arith.constant 128 : i32
        %parallel_loop3A_69 = arith.constant 1 : i32
        scf.for %parallel_loop3A_71 = %parallel_loop3A_67 to %parallel_loop3A_68 step %parallel_loop3A_69  : i32 {
          %parallel_loop3A_72 = vector.broadcast %parallel_loop3A_71 : i32 to vector<16xi32>
          %parallel_loop3A_73 = arith.addi %mul3A_66, %parallel_loop3A_72 : vector<16xi32>
          %parallel_loop3A_74 = tpu.vector_load_idx %arg10[%parallel_loop3A_73] masked %lt3A_61 : memref<65536xf32, #tpu.memory_space<vmem>>[vector<16xi32>], vector<16xf32>, vector<16xi1>
          %parallel_loop3A_75 = arith.constant 16 : i32
          %parallel_loop3A_76 = arith.muli %parallel_loop3A_71, %parallel_loop3A_75 : i32
          %parallel_loop3A_77 = arith.index_cast %parallel_loop3A_76 : i32 to index
          %parallel_loop3A_78 = tpu.vector_load %arg17[%parallel_loop3A_77] {strides = array<i32>} : memref<2048xf32, #tpu.memory_space<vmem>>, vector<16xf32>,
          %parallel_loop3A_79 = arith.mulf %mul3A_63, %parallel_loop3A_74 : vector<16xf32>
          %parallel_loop3A_80 = arith.addf %parallel_loop3A_78, %parallel_loop3A_79 : vector<16xf32>
          %parallel_loop3A_81 = arith.index_cast %parallel_loop3A_76 : i32 to index
          %parallel_loop3A_82 = tpu.vector_load %arg17[%parallel_loop3A_81] {strides = array<i32>} : memref<2048xf32, #tpu.memory_space<vmem>>, vector<16xf32>,
          tpu.vector_store %arg17[%parallel_loop3A_81], %parallel_loop3A_80 {strides = array<i32>} : memref<2048xf32, #tpu.memory_space<vmem>>, vector<16xf32>,
        } {sc.loop_unroll_factor = 8 : i64, sc.parallel_access}
        %while3A_70 = arith.constant 0 : i32
        scf.yield %while3A_70 : i32
      }
      %while3A_52 = arith.constant 1 : i32
      %while3A_53 = scf.for %while3A_55 = %while3A_49 to %while3A_45 step %while3A_52 iter_args(%while3A_56 = %while3A_51) -> (i32)  : i32 {
        %mul3A_57 = arith.constant 16 : i32
        %mul3A_58 = arith.muli %while3A_55, %mul3A_57 : i32
        %add3A_59 = vector.broadcast %mul3A_58 : i32 to vector<16xi32>
        %add3A_60 = arith.addi %add3A_59, %iota3A : vector<16xi32>
        %gather3A = tpu.vector_load_idx %arg14[%add3A_60] : memref<8192xi32, #tpu.memory_space<vmem>>[vector<16xi32>], vector<16xi32>,
        %lt3A = vector.broadcast %while3A_55 : i32 to vector<16xi32>
        %lt3A_61 = arith.cmpi slt, %lt3A, %scan3A_7 : vector<16xi32>
        %gather3A_62 = tpu.vector_load_idx %arg16[%add3A_60] : memref<8192xf32, #tpu.memory_space<vmem>>[vector<16xi32>], vector<16xf32>,
        %mul3A_63 = arith.mulf %gather3A_62, %div3A_39 : vector<16xf32>
        %mul3A_64 = arith.constant 128 : i32
        %mul3A_65 = vector.broadcast %mul3A_64 : i32 to vector<16xi32>
        %mul3A_66 = arith.muli %gather3A, %mul3A_65 : vector<16xi32>
        %parallel_loop3A_67 = arith.constant 0 : i32
        %parallel_loop3A_68 = arith.constant 128 : i32
        %parallel_loop3A_69 = arith.constant 1 : i32
        scf.for %parallel_loop3A_71 = %parallel_loop3A_67 to %parallel_loop3A_68 step %parallel_loop3A_69  : i32 {
          %parallel_loop3A_72 = vector.broadcast %parallel_loop3A_71 : i32 to vector<16xi32>
          %parallel_loop3A_73 = arith.addi %mul3A_66, %parallel_loop3A_72 : vector<16xi32>
          %parallel_loop3A_74 = tpu.vector_load_idx %arg10[%parallel_loop3A_73] masked %lt3A_61 : memref<65536xf32, #tpu.memory_space<vmem>>[vector<16xi32>], vector<16xf32>, vector<16xi1>
          %parallel_loop3A_75 = arith.constant 16 : i32
          %parallel_loop3A_76 = arith.muli %parallel_loop3A_71, %parallel_loop3A_75 : i32
          %parallel_loop3A_77 = arith.index_cast %parallel_loop3A_76 : i32 to index
          %parallel_loop3A_78 = tpu.vector_load %arg17[%parallel_loop3A_77] {strides = array<i32>} : memref<2048xf32, #tpu.memory_space<vmem>>, vector<16xf32>,
          %parallel_loop3A_79 = arith.mulf %mul3A_63, %parallel_loop3A_74 : vector<16xf32>
          %parallel_loop3A_80 = arith.addf %parallel_loop3A_78, %parallel_loop3A_79 : vector<16xf32>
          %parallel_loop3A_81 = arith.index_cast %parallel_loop3A_76 : i32 to index
          %parallel_loop3A_82 = tpu.vector_load %arg17[%parallel_loop3A_81] {strides = array<i32>} : memref<2048xf32, #tpu.memory_space<vmem>>, vector<16xf32>,
          tpu.vector_store %arg17[%parallel_loop3A_81], %parallel_loop3A_80 {strides = array<i32>} : memref<2048xf32, #tpu.memory_space<vmem>>, vector<16xf32>,
        } {sc.loop_unroll_factor = 8 : i64, sc.parallel_access}
        %while3A_70 = arith.constant 0 : i32
        scf.yield %while3A_70 : i32
      }
      "tpu.region"() ({
        %run_scoped3A = tpu.sem_alloc : memref<!tpu.dma_semaphore, #tpu.memory_space<semaphore_mem>>
        %dma_start3A = arith.constant 0 : i32
        %dma_start3A_55 = tpu.memref_slice %arg7[%add3A, %scan3A_23, %dma_start3A] : memref<32x20x2048xf32, #tpu.memory_space<hbm>> -> memref<1x1x2048xf32, #tpu.memory_space<hbm>>
        %dma_start3A_56 = tpu.memref_squeeze %dma_start3A_55 : memref<1x1x2048xf32, #tpu.memory_space<hbm>> -> memref<2048xf32, #tpu.memory_space<hbm>>
        %dma_start3A_57 = arith.constant 0 : i32
        %dma_start3A_58 = tpu.memref_slice %arg7[%add3A, %scan3A_23, %dma_start3A_57] : memref<32x20x2048xf32, #tpu.memory_space<hbm>> -> memref<1x1x2048xf32, #tpu.memory_space<hbm>>
        %dma_start3A_59 = tpu.memref_squeeze %dma_start3A_58 : memref<1x1x2048xf32, #tpu.memory_space<hbm>> -> memref<2048xf32, #tpu.memory_space<hbm>>
        tpu.enqueue_dma source(%arg17 : memref<2048xf32, #tpu.memory_space<vmem>>) target(%dma_start3A_59 : memref<2048xf32, #tpu.memory_space<hbm>>) target_semaphore(%run_scoped3A : memref<!tpu.dma_semaphore, #tpu.memory_space<semaphore_mem>>)
        %dma_wait3A = arith.constant 0 : i32
        %dma_wait3A_60 = tpu.memref_slice %arg7[%add3A, %scan3A_23, %dma_wait3A] : memref<32x20x2048xf32, #tpu.memory_space<hbm>> -> memref<1x1x2048xf32, #tpu.memory_space<hbm>>
        %dma_wait3A_61 = tpu.memref_squeeze %dma_wait3A_60 : memref<1x1x2048xf32, #tpu.memory_space<hbm>> -> memref<2048xf32, #tpu.memory_space<hbm>>
        %dma_wait3A_62 = arith.constant 0 : i32
        %dma_wait3A_63 = tpu.memref_slice %arg7[%add3A, %scan3A_23, %dma_wait3A_62] : memref<32x20x2048xf32, #tpu.memory_space<hbm>> -> memref<1x1x2048xf32, #tpu.memory_space<hbm>>
        %dma_wait3A_64 = tpu.memref_squeeze %dma_wait3A_63 : memref<1x1x2048xf32, #tpu.memory_space<hbm>> -> memref<2048xf32, #tpu.memory_space<hbm>>
        tpu.wait_dma2 semaphore(%run_scoped3A : memref<!tpu.dma_semaphore, #tpu.memory_space<semaphore_mem>>) src(%arg17 : memref<2048xf32, #tpu.memory_space<vmem>>) dst(%dma_wait3A_64 : memref<2048xf32, #tpu.memory_space<hbm>>)
        tpu.yield
      }) : () -> ()
      %scan3A_54 = arith.constant 0 : i32
      scf.yield %scan3A_54 : i32
    }
    %scan3A_22 = arith.constant 20 : i32
    return
  }
}

module attributes {stable_mosaic.version = 14 : i64} {
  func.func @_prep_body(%arg0: i32, %arg1: memref<1x512x128xf32, #tpu.memory_space<vmem>>, %arg2: memref<128x128xf32, #tpu.memory_space<vmem>>, %arg3: memref<1x128xf32, #tpu.memory_space<vmem>>, %arg4: memref<128x128xf32, #tpu.memory_space<vmem>>, %arg5: memref<128x1xf32, #tpu.memory_space<vmem>>, %arg6: memref<1x512x128xf32, #tpu.memory_space<vmem>>, %arg7: memref<1x128x512xf32, #tpu.memory_space<vmem>>) attributes {dimension_semantics = [#tpu.dimension_semantics<arbitrary>], iteration_bounds = array<i64: 20>, scalar_prefetch = 0 : i64, scratch_operands = 0 : i64, tpu.core_type = #tpu.core_type<tc>, window_params = [{transform_indices = @transform_0, window_bounds = array<i64: 1, 512, 128>}, {pipeline_mode = #tpu.pipeline_mode<synchronous>, transform_indices = @transform_1, window_bounds = array<i64: 128, 128>}, {pipeline_mode = #tpu.pipeline_mode<synchronous>, transform_indices = @transform_2, window_bounds = array<i64: 1, 128>}, {pipeline_mode = #tpu.pipeline_mode<synchronous>, transform_indices = @transform_3, window_bounds = array<i64: 128, 128>}, {pipeline_mode = #tpu.pipeline_mode<synchronous>, transform_indices = @transform_4, window_bounds = array<i64: 128, 1>}, {transform_indices = @transform_5, window_bounds = array<i64: 1, 512, 128>}, {transform_indices = @transform_6, window_bounds = array<i64: 1, 128, 512>}]} {
    %get3A = arith.constant 0 : index
    %get3A_0 = arith.constant 0 : index
    %get3A_1 = arith.constant 0 : index
    %get3A_2 = vector.load %arg1[%get3A, %get3A_0, %get3A_1] : memref<1x512x128xf32, #tpu.memory_space<vmem>>, vector<1x512x128xf32>
    %get3A_3 = vector.shape_cast %get3A_2 : vector<1x512x128xf32> to vector<512x128xf32>
    %get3A_4 = arith.constant 0 : index
    %get3A_5 = arith.constant 0 : index
    %get3A_6 = vector.load %arg2[%get3A_4, %get3A_5] : memref<128x128xf32, #tpu.memory_space<vmem>>, vector<128x128xf32>
    %dot_general3A = arith.constant dense<0.000000e+00> : vector<512x128xf32>
    %dot_general3A_7 = tpu.matmul %get3A_3, %get3A_6, %dot_general3A {dimension_numbers = #tpu.dot_dimension_numbers<[1], [0], [0], [1], [0, 0, 1, 1], [], []>, transpose_lhs_hint = false} : vector<512x128xf32>, vector<128x128xf32>, vector<512x128xf32> -> vector<512x128xf32>
    %get3A_8 = arith.constant 0 : index
    %get3A_9 = arith.constant 0 : index
    %get3A_10 = vector.load %arg3[%get3A_8, %get3A_9] : memref<1x128xf32, #tpu.memory_space<vmem>>, vector<1x128xf32>
    %add3A = vector.broadcast %get3A_10 : vector<1x128xf32> to vector<512x128xf32>
    %add3A_11 = arith.addf %dot_general3A_7, %add3A : vector<512x128xf32>
    %swap3A = arith.constant 0 : index
    %swap3A_12 = arith.constant 0 : index
    %swap3A_13 = arith.constant 0 : index
    %swap3A_14 = vector.load %arg6[%swap3A, %swap3A_12, %swap3A_13] : memref<1x512x128xf32, #tpu.memory_space<vmem>>, vector<1x512x128xf32>
    %swap3A_15 = vector.shape_cast %swap3A_14 : vector<1x512x128xf32> to vector<512x128xf32>
    %swap3A_16 = vector.shape_cast %add3A_11 : vector<512x128xf32> to vector<1x512x128xf32>
    tpu.vector_store %arg6[%swap3A, %swap3A_12, %swap3A_13], %swap3A_16 {strides = array<i32>} : memref<1x512x128xf32, #tpu.memory_space<vmem>>, vector<1x512x128xf32>,
    %get3A_17 = arith.constant 0 : index
    %get3A_18 = arith.constant 0 : index
    %get3A_19 = vector.load %arg4[%get3A_17, %get3A_18] : memref<128x128xf32, #tpu.memory_space<vmem>>, vector<128x128xf32>
    %dot_general3A_20 = arith.constant dense<0.000000e+00> : vector<128x512xf32>
    %dot_general3A_21 = tpu.matmul %get3A_19, %get3A_3, %dot_general3A_20 {dimension_numbers = #tpu.dot_dimension_numbers<[0], [1], [1], [0], [0, 1, 1, 0], [], []>, transpose_lhs_hint = false} : vector<128x128xf32>, vector<512x128xf32>, vector<128x512xf32> -> vector<128x512xf32>
    %get3A_22 = arith.constant 0 : index
    %get3A_23 = arith.constant 0 : index
    %get3A_24 = vector.load %arg5[%get3A_22, %get3A_23] : memref<128x1xf32, #tpu.memory_space<vmem>>, vector<128x1xf32>
    %add3A_25 = vector.broadcast %get3A_24 : vector<128x1xf32> to vector<128x512xf32>
    %add3A_26 = arith.addf %dot_general3A_21, %add3A_25 : vector<128x512xf32>
    %swap3A_27 = arith.constant 0 : index
    %swap3A_28 = arith.constant 0 : index
    %swap3A_29 = arith.constant 0 : index
    %swap3A_30 = vector.load %arg7[%swap3A_27, %swap3A_28, %swap3A_29] : memref<1x128x512xf32, #tpu.memory_space<vmem>>, vector<1x128x512xf32>
    %swap3A_31 = vector.shape_cast %swap3A_30 : vector<1x128x512xf32> to vector<128x512xf32>
    %swap3A_32 = vector.shape_cast %add3A_26 : vector<128x512xf32> to vector<1x128x512xf32>
    tpu.vector_store %arg7[%swap3A_27, %swap3A_28, %swap3A_29], %swap3A_32 {strides = array<i32>} : memref<1x128x512xf32, #tpu.memory_space<vmem>>, vector<1x128x512xf32>,
    return
  }
  func.func @transform_0(%arg0: i32) -> (i32, i32, i32) {
    %c0_i32 = arith.constant 0 : i32
    %c0_i32_0 = arith.constant 0 : i32
    %c0_i32_1 = arith.constant 0 : i32
    return %arg0, %c0_i32, %c0_i32_0 : i32, i32, i32
  }
  func.func @transform_1(%arg0: i32) -> (i32, i32) {
    %c0_i32 = arith.constant 0 : i32
    %c0_i32_0 = arith.constant 0 : i32
    %c0_i32_1 = arith.constant 0 : i32
    return %c0_i32, %c0_i32_0 : i32, i32
  }
  func.func @transform_2(%arg0: i32) -> (i32, i32) {
    %c0_i32 = arith.constant 0 : i32
    %c0_i32_0 = arith.constant 0 : i32
    %c0_i32_1 = arith.constant 0 : i32
    return %c0_i32, %c0_i32_0 : i32, i32
  }
  func.func @transform_3(%arg0: i32) -> (i32, i32) {
    %c0_i32 = arith.constant 0 : i32
    %c0_i32_0 = arith.constant 0 : i32
    %c0_i32_1 = arith.constant 0 : i32
    return %c0_i32, %c0_i32_0 : i32, i32
  }
  func.func @transform_4(%arg0: i32) -> (i32, i32) {
    %c0_i32 = arith.constant 0 : i32
    %c0_i32_0 = arith.constant 0 : i32
    %c0_i32_1 = arith.constant 0 : i32
    return %c0_i32, %c0_i32_0 : i32, i32
  }
  func.func @transform_5(%arg0: i32) -> (i32, i32, i32) {
    %c0_i32 = arith.constant 0 : i32
    %c0_i32_0 = arith.constant 0 : i32
    %c0_i32_1 = arith.constant 0 : i32
    return %arg0, %c0_i32, %c0_i32_0 : i32, i32, i32
  }
  func.func @transform_6(%arg0: i32) -> (i32, i32, i32) {
    %c0_i32 = arith.constant 0 : i32
    %c0_i32_0 = arith.constant 0 : i32
    %c0_i32_1 = arith.constant 0 : i32
    return %arg0, %c0_i32, %c0_i32_0 : i32, i32, i32
  }
}

module attributes {stable_mosaic.version = 14 : i64} {
  func.func @_gatout_body(%arg0: i32, %arg1: memref<1x128x512xf32, #tpu.memory_space<vmem>>, %arg2: memref<128x32xf32, #tpu.memory_space<vmem>>, %arg3: memref<1x128xf32, #tpu.memory_space<vmem>>, %arg4: memref<1x32xf32, #tpu.memory_space<vmem>>, %arg5: memref<1x512x32xf32, #tpu.memory_space<vmem>>) attributes {dimension_semantics = [#tpu.dimension_semantics<arbitrary>], iteration_bounds = array<i64: 20>, scalar_prefetch = 0 : i64, scratch_operands = 0 : i64, tpu.core_type = #tpu.core_type<tc>, window_params = [{transform_indices = @transform_0, window_bounds = array<i64: 1, 128, 512>}, {pipeline_mode = #tpu.pipeline_mode<synchronous>, transform_indices = @transform_1, window_bounds = array<i64: 128, 32>}, {pipeline_mode = #tpu.pipeline_mode<synchronous>, transform_indices = @transform_2, window_bounds = array<i64: 1, 128>}, {pipeline_mode = #tpu.pipeline_mode<synchronous>, transform_indices = @transform_3, window_bounds = array<i64: 1, 32>}, {transform_indices = @transform_4, window_bounds = array<i64: 1, 512, 32>}]} {
    %get3A = arith.constant 0 : index
    %get3A_0 = arith.constant 0 : index
    %get3A_1 = arith.constant 0 : index
    %get3A_2 = vector.load %arg1[%get3A, %get3A_0, %get3A_1] : memref<1x128x512xf32, #tpu.memory_space<vmem>>, vector<1x128x512xf32>
    %get3A_3 = vector.shape_cast %get3A_2 : vector<1x128x512xf32> to vector<128x512xf32>
    %get3A_4 = arith.constant 0 : index
    %get3A_5 = arith.constant 0 : index
    %get3A_6 = vector.load %arg2[%get3A_4, %get3A_5] : memref<128x32xf32, #tpu.memory_space<vmem>>, vector<128x32xf32>
    %dot_general3A = arith.constant dense<0.000000e+00> : vector<512x32xf32>
    %dot_general3A_7 = tpu.matmul %get3A_3, %get3A_6, %dot_general3A {dimension_numbers = #tpu.dot_dimension_numbers<[0], [0], [1], [1], [0, 1, 1, 1], [], []>, transpose_lhs_hint = false} : vector<128x512xf32>, vector<128x32xf32>, vector<512x32xf32> -> vector<512x32xf32>
    %get3A_8 = arith.constant 0 : index
    %get3A_9 = arith.constant 0 : index
    %get3A_10 = vector.load %arg3[%get3A_8, %get3A_9] : memref<1x128xf32, #tpu.memory_space<vmem>>, vector<1x128xf32>
    %get3A_11 = arith.constant 0 : index
    %get3A_12 = arith.constant 0 : index
    %get3A_13 = vector.load %arg2[%get3A_11, %get3A_12] : memref<128x32xf32, #tpu.memory_space<vmem>>, vector<128x32xf32>
    %dot_general3A_14 = arith.constant dense<0.000000e+00> : vector<1x32xf32>
    %dot_general3A_15 = tpu.matmul %get3A_10, %get3A_13, %dot_general3A_14 {dimension_numbers = #tpu.dot_dimension_numbers<[1], [0], [0], [1], [0, 0, 1, 1], [], []>, transpose_lhs_hint = false} : vector<1x128xf32>, vector<128x32xf32>, vector<1x32xf32> -> vector<1x32xf32>
    %get3A_16 = arith.constant 0 : index
    %get3A_17 = arith.constant 0 : index
    %get3A_18 = vector.load %arg4[%get3A_16, %get3A_17] : memref<1x32xf32, #tpu.memory_space<vmem>>, vector<1x32xf32>
    %add3A = arith.addf %dot_general3A_15, %get3A_18 : vector<1x32xf32>
    %add3A_19 = vector.broadcast %add3A : vector<1x32xf32> to vector<512x32xf32>
    %add3A_20 = arith.addf %dot_general3A_7, %add3A_19 : vector<512x32xf32>
    %swap3A = arith.constant 0 : index
    %swap3A_21 = arith.constant 0 : index
    %swap3A_22 = arith.constant 0 : index
    %swap3A_23 = vector.load %arg5[%swap3A, %swap3A_21, %swap3A_22] : memref<1x512x32xf32, #tpu.memory_space<vmem>>, vector<1x512x32xf32>
    %swap3A_24 = vector.shape_cast %swap3A_23 : vector<1x512x32xf32> to vector<512x32xf32>
    %swap3A_25 = vector.shape_cast %add3A_20 : vector<512x32xf32> to vector<1x512x32xf32>
    tpu.vector_store %arg5[%swap3A, %swap3A_21, %swap3A_22], %swap3A_25 {strides = array<i32>} : memref<1x512x32xf32, #tpu.memory_space<vmem>>, vector<1x512x32xf32>,
    return
  }
  func.func @transform_0(%arg0: i32) -> (i32, i32, i32) {
    %c0_i32 = arith.constant 0 : i32
    %c0_i32_0 = arith.constant 0 : i32
    %c0_i32_1 = arith.constant 0 : i32
    return %arg0, %c0_i32, %c0_i32_0 : i32, i32, i32
  }
  func.func @transform_1(%arg0: i32) -> (i32, i32) {
    %c0_i32 = arith.constant 0 : i32
    %c0_i32_0 = arith.constant 0 : i32
    %c0_i32_1 = arith.constant 0 : i32
    return %c0_i32, %c0_i32_0 : i32, i32
  }
  func.func @transform_2(%arg0: i32) -> (i32, i32) {
    %c0_i32 = arith.constant 0 : i32
    %c0_i32_0 = arith.constant 0 : i32
    %c0_i32_1 = arith.constant 0 : i32
    return %c0_i32, %c0_i32_0 : i32, i32
  }
  func.func @transform_3(%arg0: i32) -> (i32, i32) {
    %c0_i32 = arith.constant 0 : i32
    %c0_i32_0 = arith.constant 0 : i32
    %c0_i32_1 = arith.constant 0 : i32
    return %c0_i32, %c0_i32_0 : i32, i32
  }
  func.func @transform_4(%arg0: i32) -> (i32, i32, i32) {
    %c0_i32 = arith.constant 0 : i32
    %c0_i32_0 = arith.constant 0 : i32
    %c0_i32_1 = arith.constant 0 : i32
    return %arg0, %c0_i32, %c0_i32_0 : i32, i32, i32
  }
}

module attributes {stable_mosaic.version = 14 : i64} {
  func.func @_proj_body(%arg0: i32, %arg1: memref<40x3200xf32, #tpu.memory_space<vmem>>, %arg2: memref<1024x3200xf32, #tpu.memory_space<vmem>>, %arg3: memref<1x1024xf32, #tpu.memory_space<vmem>>, %arg4: memref<40x1024xf32, #tpu.memory_space<vmem>>) attributes {dimension_semantics = [#tpu.dimension_semantics<arbitrary>], iteration_bounds = array<i64: 5>, scalar_prefetch = 0 : i64, scratch_operands = 0 : i64, tpu.core_type = #tpu.core_type<tc>, window_params = [{transform_indices = @transform_0, window_bounds = array<i64: 40, 3200>}, {transform_indices = @transform_1, window_bounds = array<i64: 1024, 3200>}, {pipeline_mode = #tpu.pipeline_mode<synchronous>, transform_indices = @transform_2, window_bounds = array<i64: 1, 1024>}, {pipeline_mode = #tpu.pipeline_mode<synchronous>, transform_indices = @transform_3, window_bounds = array<i64: 40, 1024>}]} {
    %eq3A = arith.constant 0 : i32
    %eq3A_0 = arith.cmpi eq, %arg0, %eq3A : i32
    %convert_element_type3A = arith.extui %eq3A_0 : i1 to i32
    %cond3A = arith.constant 0 : i32
    %cond3A_1 = arith.cmpi ne, %convert_element_type3A, %cond3A : i32
    scf.if %cond3A_1 {
      %get3A_13 = arith.constant 0 : index
      %get3A_14 = arith.constant 0 : index
      %get3A_15 = vector.load %arg3[%get3A_13, %get3A_14] : memref<1x1024xf32, #tpu.memory_space<vmem>>, vector<1x1024xf32>
      %broadcast_in_dim3A = vector.shape_cast %get3A_15 : vector<1x1024xf32> to vector<1x1024xf32>
      %broadcast_in_dim3A_16 = vector.broadcast %broadcast_in_dim3A : vector<1x1024xf32> to vector<40x1024xf32>
      %swap3A_17 = arith.constant 0 : index
      %swap3A_18 = arith.constant 0 : index
      %swap3A_19 = vector.load %arg4[%swap3A_17, %swap3A_18] : memref<40x1024xf32, #tpu.memory_space<vmem>>, vector<40x1024xf32>
      tpu.vector_store %arg4[%swap3A_17, %swap3A_18], %broadcast_in_dim3A_16 {strides = array<i32>} : memref<40x1024xf32, #tpu.memory_space<vmem>>, vector<40x1024xf32>,
    } else {
    }
    %get3A = arith.constant 0 : index
    %get3A_2 = arith.constant 0 : index
    %get3A_3 = vector.load %arg4[%get3A, %get3A_2] : memref<40x1024xf32, #tpu.memory_space<vmem>>, vector<40x1024xf32>
    %get3A_4 = arith.constant 0 : index
    %get3A_5 = arith.constant 0 : index
    %get3A_6 = vector.load %arg1[%get3A_4, %get3A_5] : memref<40x3200xf32, #tpu.memory_space<vmem>>, vector<40x3200xf32>
    %get3A_7 = arith.constant 0 : index
    %get3A_8 = arith.constant 0 : index
    %get3A_9 = vector.load %arg2[%get3A_7, %get3A_8] : memref<1024x3200xf32, #tpu.memory_space<vmem>>, vector<1024x3200xf32>
    %dot_general3A = arith.constant dense<0.000000e+00> : vector<40x1024xf32>
    %dot_general3A_10 = tpu.matmul %get3A_6, %get3A_9, %dot_general3A {dimension_numbers = #tpu.dot_dimension_numbers<[1], [1], [0], [0], [0, 0, 1, 0], [], []>, transpose_lhs_hint = false} : vector<40x3200xf32>, vector<1024x3200xf32>, vector<40x1024xf32> -> vector<40x1024xf32>
    %add3A = arith.addf %get3A_3, %dot_general3A_10 : vector<40x1024xf32>
    %swap3A = arith.constant 0 : index
    %swap3A_11 = arith.constant 0 : index
    %swap3A_12 = vector.load %arg4[%swap3A, %swap3A_11] : memref<40x1024xf32, #tpu.memory_space<vmem>>, vector<40x1024xf32>
    tpu.vector_store %arg4[%swap3A, %swap3A_11], %add3A {strides = array<i32>} : memref<40x1024xf32, #tpu.memory_space<vmem>>, vector<40x1024xf32>,
    return
  }
  func.func @transform_0(%arg0: i32) -> (i32, i32) {
    %c0_i32 = arith.constant 0 : i32
    %c0_i32_0 = arith.constant 0 : i32
    return %c0_i32, %arg0 : i32, i32
  }
  func.func @transform_1(%arg0: i32) -> (i32, i32) {
    %c0_i32 = arith.constant 0 : i32
    %c0_i32_0 = arith.constant 0 : i32
    return %c0_i32, %arg0 : i32, i32
  }
  func.func @transform_2(%arg0: i32) -> (i32, i32) {
    %c0_i32 = arith.constant 0 : i32
    %c0_i32_0 = arith.constant 0 : i32
    %c0_i32_1 = arith.constant 0 : i32
    return %c0_i32, %c0_i32_0 : i32, i32
  }
  func.func @transform_3(%arg0: i32) -> (i32, i32) {
    %c0_i32 = arith.constant 0 : i32
    %c0_i32_0 = arith.constant 0 : i32
    %c0_i32_1 = arith.constant 0 : i32
    return %c0_i32, %c0_i32_0 : i32, i32
  }
}

module attributes {stable_mosaic.version = 14 : i64} {
  func.func @_lstm_body(%arg0: memref<20x2x1024xf32, #tpu.memory_space<vmem>>, %arg1: memref<256x1024xf32, #tpu.memory_space<vmem>>, %arg2: memref<1x1024xf32, #tpu.memory_space<vmem>>, %arg3: memref<256x1024xf32, #tpu.memory_space<vmem>>, %arg4: memref<1x1024xf32, #tpu.memory_space<vmem>>, %arg5: memref<256x1024xf32, #tpu.memory_space<vmem>>, %arg6: memref<1x1024xf32, #tpu.memory_space<vmem>>, %arg7: memref<256x128xf32, #tpu.memory_space<vmem>>, %arg8: memref<1x128xf32, #tpu.memory_space<vmem>>, %arg9: memref<2x128xf32, #tpu.memory_space<vmem>>) attributes {dimension_semantics = [], scalar_prefetch = 0 : i64, scratch_operands = 0 : i64, tpu.core_type = #tpu.core_type<tc>} {
    %broadcast_in_dim3A = arith.constant 0.000000e+00 : f32
    %broadcast_in_dim3A_0 = vector.broadcast %broadcast_in_dim3A : f32 to vector<2x256xf32>
    %scan3A = arith.constant 0 : i32
    %scan3A_1 = arith.constant 20 : i32
    %scan3A_2 = arith.addi %scan3A, %scan3A_1 : i32
    %scan3A_3 = arith.constant 1 : i32
    %scan3A_4:4 = scf.for %scan3A_15 = %scan3A to %scan3A_2 step %scan3A_3 iter_args(%scan3A_16 = %broadcast_in_dim3A_0, %scan3A_17 = %broadcast_in_dim3A_0, %scan3A_18 = %broadcast_in_dim3A_0, %scan3A_19 = %broadcast_in_dim3A_0) -> (vector<2x256xf32>, vector<2x256xf32>, vector<2x256xf32>, vector<2x256xf32>)  : i32 {
      %get3A_20 = arith.index_cast %scan3A_15 : i32 to index
      %get3A_21 = arith.constant 0 : index
      %get3A_22 = arith.constant 0 : index
      %get3A_23 = vector.load %arg0[%get3A_20, %get3A_21, %get3A_22] : memref<20x2x1024xf32, #tpu.memory_space<vmem>>, vector<1x2x1024xf32>
      %get3A_24 = vector.shape_cast %get3A_23 : vector<1x2x1024xf32> to vector<2x1024xf32>
      %get3A_25 = arith.constant 0 : index
      %get3A_26 = arith.constant 0 : index
      %get3A_27 = vector.load %arg1[%get3A_25, %get3A_26] : memref<256x1024xf32, #tpu.memory_space<vmem>>, vector<256x1024xf32>
      %dot_general3A_28 = arith.constant dense<0.000000e+00> : vector<2x1024xf32>
      %dot_general3A_29 = tpu.matmul %scan3A_16, %get3A_27, %dot_general3A_28 {dimension_numbers = #tpu.dot_dimension_numbers<[1], [0], [0], [1], [0, 0, 1, 1], [], []>, transpose_lhs_hint = false} : vector<2x256xf32>, vector<256x1024xf32>, vector<2x1024xf32> -> vector<2x1024xf32>
      %add3A_30 = arith.addf %get3A_24, %dot_general3A_29 : vector<2x1024xf32>
      %get3A_31 = arith.constant 0 : index
      %get3A_32 = arith.constant 0 : index
      %get3A_33 = vector.load %arg2[%get3A_31, %get3A_32] : memref<1x1024xf32, #tpu.memory_space<vmem>>, vector<1x1024xf32>
      %add3A_34 = vector.broadcast %get3A_33 : vector<1x1024xf32> to vector<2x1024xf32>
      %add3A_35 = arith.addf %add3A_30, %add3A_34 : vector<2x1024xf32>
      %slice3A = vector.extract_strided_slice %add3A_35 {offsets = [0, 0], sizes = [2, 256], strides = [1, 1]} : vector<2x1024xf32> to vector<2x256xf32>
      %logistic3A = arith.negf %slice3A : vector<2x256xf32>
      %logistic3A_36 = math.exp %logistic3A : vector<2x256xf32>
      %logistic3A_37 = arith.constant 1.000000e+00 : f32
      %logistic3A_38 = vector.broadcast %logistic3A_37 : f32 to vector<2x256xf32>
      %logistic3A_39 = arith.addf %logistic3A_38, %logistic3A_36 : vector<2x256xf32>
      %logistic3A_40 = arith.divf %logistic3A_38, %logistic3A_39 : vector<2x256xf32>
      %slice3A_41 = vector.extract_strided_slice %add3A_35 {offsets = [0, 256], sizes = [2, 256], strides = [1, 1]} : vector<2x1024xf32> to vector<2x256xf32>
      %logistic3A_42 = arith.negf %slice3A_41 : vector<2x256xf32>
      %logistic3A_43 = math.exp %logistic3A_42 : vector<2x256xf32>
      %logistic3A_44 = arith.constant 1.000000e+00 : f32
      %logistic3A_45 = vector.broadcast %logistic3A_44 : f32 to vector<2x256xf32>
      %logistic3A_46 = arith.addf %logistic3A_45, %logistic3A_43 : vector<2x256xf32>
      %logistic3A_47 = arith.divf %logistic3A_45, %logistic3A_46 : vector<2x256xf32>
      %slice3A_48 = vector.extract_strided_slice %add3A_35 {offsets = [0, 512], sizes = [2, 256], strides = [1, 1]} : vector<2x1024xf32> to vector<2x256xf32>
      %tanh3A = math.tanh %slice3A_48 : vector<2x256xf32>
      %slice3A_49 = vector.extract_strided_slice %add3A_35 {offsets = [0, 768], sizes = [2, 256], strides = [1, 1]} : vector<2x1024xf32> to vector<2x256xf32>
      %logistic3A_50 = arith.negf %slice3A_49 : vector<2x256xf32>
      %logistic3A_51 = math.exp %logistic3A_50 : vector<2x256xf32>
      %logistic3A_52 = arith.constant 1.000000e+00 : f32
      %logistic3A_53 = vector.broadcast %logistic3A_52 : f32 to vector<2x256xf32>
      %logistic3A_54 = arith.addf %logistic3A_53, %logistic3A_51 : vector<2x256xf32>
      %logistic3A_55 = arith.divf %logistic3A_53, %logistic3A_54 : vector<2x256xf32>
      %mul3A = arith.mulf %logistic3A_47, %scan3A_17 : vector<2x256xf32>
      %mul3A_56 = arith.mulf %logistic3A_40, %tanh3A : vector<2x256xf32>
      %add3A_57 = arith.addf %mul3A, %mul3A_56 : vector<2x256xf32>
      %tanh3A_58 = math.tanh %add3A_57 : vector<2x256xf32>
      %mul3A_59 = arith.mulf %logistic3A_55, %tanh3A_58 : vector<2x256xf32>
      %get3A_60 = arith.constant 0 : index
      %get3A_61 = arith.constant 0 : index
      %get3A_62 = vector.load %arg3[%get3A_60, %get3A_61] : memref<256x1024xf32, #tpu.memory_space<vmem>>, vector<256x1024xf32>
      %dot_general3A_63 = arith.constant dense<0.000000e+00> : vector<2x1024xf32>
      %dot_general3A_64 = tpu.matmul %mul3A_59, %get3A_62, %dot_general3A_63 {dimension_numbers = #tpu.dot_dimension_numbers<[1], [0], [0], [1], [0, 0, 1, 1], [], []>, transpose_lhs_hint = false} : vector<2x256xf32>, vector<256x1024xf32>, vector<2x1024xf32> -> vector<2x1024xf32>
      %get3A_65 = arith.constant 0 : index
      %get3A_66 = arith.constant 0 : index
      %get3A_67 = vector.load %arg4[%get3A_65, %get3A_66] : memref<1x1024xf32, #tpu.memory_space<vmem>>, vector<1x1024xf32>
      %add3A_68 = vector.broadcast %get3A_67 : vector<1x1024xf32> to vector<2x1024xf32>
      %add3A_69 = arith.addf %dot_general3A_64, %add3A_68 : vector<2x1024xf32>
      %get3A_70 = arith.constant 0 : index
      %get3A_71 = arith.constant 0 : index
      %get3A_72 = vector.load %arg5[%get3A_70, %get3A_71] : memref<256x1024xf32, #tpu.memory_space<vmem>>, vector<256x1024xf32>
      %dot_general3A_73 = arith.constant dense<0.000000e+00> : vector<2x1024xf32>
      %dot_general3A_74 = tpu.matmul %scan3A_18, %get3A_72, %dot_general3A_73 {dimension_numbers = #tpu.dot_dimension_numbers<[1], [0], [0], [1], [0, 0, 1, 1], [], []>, transpose_lhs_hint = false} : vector<2x256xf32>, vector<256x1024xf32>, vector<2x1024xf32> -> vector<2x1024xf32>
      %add3A_75 = arith.addf %add3A_69, %dot_general3A_74 : vector<2x1024xf32>
      %get3A_76 = arith.constant 0 : index
      %get3A_77 = arith.constant 0 : index
      %get3A_78 = vector.load %arg6[%get3A_76, %get3A_77] : memref<1x1024xf32, #tpu.memory_space<vmem>>, vector<1x1024xf32>
      %add3A_79 = vector.broadcast %get3A_78 : vector<1x1024xf32> to vector<2x1024xf32>
      %add3A_80 = arith.addf %add3A_75, %add3A_79 : vector<2x1024xf32>
      %slice3A_81 = vector.extract_strided_slice %add3A_80 {offsets = [0, 0], sizes = [2, 256], strides = [1, 1]} : vector<2x1024xf32> to vector<2x256xf32>
      %logistic3A_82 = arith.negf %slice3A_81 : vector<2x256xf32>
      %logistic3A_83 = math.exp %logistic3A_82 : vector<2x256xf32>
      %logistic3A_84 = arith.constant 1.000000e+00 : f32
      %logistic3A_85 = vector.broadcast %logistic3A_84 : f32 to vector<2x256xf32>
      %logistic3A_86 = arith.addf %logistic3A_85, %logistic3A_83 : vector<2x256xf32>
      %logistic3A_87 = arith.divf %logistic3A_85, %logistic3A_86 : vector<2x256xf32>
      %slice3A_88 = vector.extract_strided_slice %add3A_80 {offsets = [0, 256], sizes = [2, 256], strides = [1, 1]} : vector<2x1024xf32> to vector<2x256xf32>
      %logistic3A_89 = arith.negf %slice3A_88 : vector<2x256xf32>
      %logistic3A_90 = math.exp %logistic3A_89 : vector<2x256xf32>
      %logistic3A_91 = arith.constant 1.000000e+00 : f32
      %logistic3A_92 = vector.broadcast %logistic3A_91 : f32 to vector<2x256xf32>
      %logistic3A_93 = arith.addf %logistic3A_92, %logistic3A_90 : vector<2x256xf32>
      %logistic3A_94 = arith.divf %logistic3A_92, %logistic3A_93 : vector<2x256xf32>
      %slice3A_95 = vector.extract_strided_slice %add3A_80 {offsets = [0, 512], sizes = [2, 256], strides = [1, 1]} : vector<2x1024xf32> to vector<2x256xf32>
      %tanh3A_96 = math.tanh %slice3A_95 : vector<2x256xf32>
      %slice3A_97 = vector.extract_strided_slice %add3A_80 {offsets = [0, 768], sizes = [2, 256], strides = [1, 1]} : vector<2x1024xf32> to vector<2x256xf32>
      %logistic3A_98 = arith.negf %slice3A_97 : vector<2x256xf32>
      %logistic3A_99 = math.exp %logistic3A_98 : vector<2x256xf32>
      %logistic3A_100 = arith.constant 1.000000e+00 : f32
      %logistic3A_101 = vector.broadcast %logistic3A_100 : f32 to vector<2x256xf32>
      %logistic3A_102 = arith.addf %logistic3A_101, %logistic3A_99 : vector<2x256xf32>
      %logistic3A_103 = arith.divf %logistic3A_101, %logistic3A_102 : vector<2x256xf32>
      %mul3A_104 = arith.mulf %logistic3A_94, %scan3A_19 : vector<2x256xf32>
      %mul3A_105 = arith.mulf %logistic3A_87, %tanh3A_96 : vector<2x256xf32>
      %add3A_106 = arith.addf %mul3A_104, %mul3A_105 : vector<2x256xf32>
      %tanh3A_107 = math.tanh %add3A_106 : vector<2x256xf32>
      %mul3A_108 = arith.mulf %logistic3A_103, %tanh3A_107 : vector<2x256xf32>
      scf.yield %mul3A_59, %add3A_57, %mul3A_108, %add3A_106 : vector<2x256xf32>, vector<2x256xf32>, vector<2x256xf32>, vector<2x256xf32>
    }
    %scan3A_5 = arith.constant 20 : i32
    %get3A = arith.constant 0 : index
    %get3A_6 = arith.constant 0 : index
    %get3A_7 = vector.load %arg7[%get3A, %get3A_6] : memref<256x128xf32, #tpu.memory_space<vmem>>, vector<256x128xf32>
    %dot_general3A = arith.constant dense<0.000000e+00> : vector<2x128xf32>
    %dot_general3A_8 = tpu.matmul %scan3A_4#2, %get3A_7, %dot_general3A {dimension_numbers = #tpu.dot_dimension_numbers<[1], [0], [0], [1], [0, 0, 1, 1], [], []>, transpose_lhs_hint = false} : vector<2x256xf32>, vector<256x128xf32>, vector<2x128xf32> -> vector<2x128xf32>
    %get3A_9 = arith.constant 0 : index
    %get3A_10 = arith.constant 0 : index
    %get3A_11 = vector.load %arg8[%get3A_9, %get3A_10] : memref<1x128xf32, #tpu.memory_space<vmem>>, vector<1x128xf32>
    %add3A = vector.broadcast %get3A_11 : vector<1x128xf32> to vector<2x128xf32>
    %add3A_12 = arith.addf %dot_general3A_8, %add3A : vector<2x128xf32>
    %swap3A = arith.constant 0 : index
    %swap3A_13 = arith.constant 0 : index
    %swap3A_14 = vector.load %arg9[%swap3A, %swap3A_13] : memref<2x128xf32, #tpu.memory_space<vmem>>, vector<2x128xf32>
    tpu.vector_store %arg9[%swap3A, %swap3A_13], %add3A_12 {strides = array<i32>} : memref<2x128xf32, #tpu.memory_space<vmem>>, vector<2x128xf32>,
    return
  }
}

</mosaic_0001>

<sc_bundles>
// kernel: kernel.7.cloned.1.call-start
scs
__scs_entry_jumppad:
0x0: {  	(pc) =	sbr.rel $0x88, $3  }
0x1: {  	(tag) =	ssettag $0x0;
	lr =	simm.s32 $0x1  }
0x2: {  	[smem:$0x3F8C] =	sst lr;
	_ =	strace $0xD0000000  }
0x3: {  	_ = 	snop  }
0x4: {  	_ = 	snop  }
0x5: {  	_ = 	snop  }
0x6: {  	_ = 	snop  }
0x7: {  	_ = 	snop  }
__scs_overlays_trampoline_lowered:
0x8: {  	[smem:$0x3F9B] =	sst s0  }
0x9: {  	[smem:$0x3F9C] =	sst s1  }
0xa: {  	[smem:$0x3F9D] =	sst s2  }
0xb: {  	[smem:$0x3F9E] =	sst s3  }
0xc: {  	[smem:$0x3F9F] =	sst s4  }
0xd: {  	[smem:$0x3FA0] =	sst s5  }
0xe: {  	[smem:$0x3FA1] =	sst s6  }
0xf: {  	[smem:$0x3FA2] =	sst s7  }
0x10: {  	[smem:$0x3FA3] =	sst s8  }
0x11: {  	[smem:$0x3FA4] =	sst s9;
	s0 =	simm.s32 @!p0 $0x0  }
0x12: {  	s1 =	sld [smem:$0x3F8A];
	s0 =	simm.s32 @p0 $0x1  }
0x13: {  	[smem:$0x3FA5] =	sst s0;
	s0 =	simm.s32 @!p1 $0x0  }
0x14: {  	s2 =	sld [smem:$0x3F89];
	s0 =	simm.s32 @p1 $0x1  }
0x15: {  	[smem:$0x3FA6] =	sst s0;
	s0 =	simm.s32 @!p2 $0x0  }
0x16: {  	s3 =	sld [smem:$0x3FDB];
	s0 =	simm.s32 @p2 $0x1  }
0x17: {  	s4 =	simm.s32 $0x1BF5;
	[smem:$0x3FA8] =	sst s0  }
0x18: {  	s0 =	sld [smem:$0x3F8B];
	_ =	swait.ge [sflag:s4], $0x0  }
0x19: {  	s7 =	sld [smem:$0x3F8C]  }
0x1a: {  	s8 =	sadd.s32 $0xFFFFE003, lr  }
0x1b: {  	s9 =	sadd.s32 $0xFFFFFEF7, lr;
	s5 =	simm.s32 $0xFFFFFFFF;
	p2 =	slt.u32 s8, $0xFFFFF086  }
0x1c: {  	p1 =	slt.u32 s9, $0xF7A;
	s5 =	simm.s32 @!p2 $0x0  }
0x1d: {  	s5 =	simm.s32 @p1 $0x1;
	p0 =	seq.s32 s7, s2  }
0x1e: {  	s7 =	smul.u32 @!p0 $0xF7A, s2;
	p2 =	seq.s32 @!p0 s5, $0x0  }
0x1f: {  	s9 =	smul.u32 $0xF7A, s1;
	s8 =	simm.s32 @!p0 $0x1BF5;
	p2 =	por !p2, p0  }
0x20: {  	[sflag:s8] =	ssyncset.s32 @!p0 $0xFFFFF086;
	s6 =	sadd.s32 @!p0 s3, s7;
	s7 =	simm.s32 @!p0 $0x108  }
0x21: {  	s3 =	sadd.s32 s3, s9;
	s6 =	sadd.s32 @!p0 $0x88, s6;
	s7 =	simm.s32 @p2 $0x1082  }
0x22: {  	[simem:s7], [sflag:s8] =	dma.local @!p0 [hbm:s6], $0xF7A  }
0x23: {  	s9 =	sor.u32 $0xD0000000, s2;
	s6 =	simm.s32 $0x108;
	_ =	swait.ge @!p0 [sflag:s8], $0x0  }
0x24: {  	s3 =	sadd.s32 $0x88, s3;
	s6 =	simm.s32 @!p1 $0x1082;
	[sflag:s4] =	ssyncset.s32 $0xFFFFF086  }
0x25: {  	[simem:s6], [sflag:s4] =	dma.local [hbm:s3], $0xF7A  }
0x26: {  	[smem:$0x3F8C] =	sst s1;
	(tag) =	ssettag s2;
	_ =	strace s9  }
0x27: {  	s1 =	sld [smem:$0x3F9C]  }
0x28: {  	s2 =	sld [smem:$0x3F9D]  }
0x29: {  	s4 =	sld [smem:$0x3F9F]  }
0x2a: {  	p0 =	seq.s32 s5, $0x0;
	s5 =	sld [smem:$0x3FA0]  }
0x2b: {  	s6 =	sld [smem:$0x3FA1]  }
0x2c: {  	s7 =	sld [smem:$0x3FA2]  }
0x2d: {  	s3 =	simm.s32 $0x108;
	s8 =	sld [smem:$0x3FA3]  }
0x2e: {  	s3 =	simm.s32 @!p0 $0x1082;
	s9 =	sld [smem:$0x3FA4]  }
0x2f: {  	lr =	sadd.s32 s0, s3;
	s0 =	sld [smem:$0x3F9B]  }
0x30: {  	s3 =	sld [smem:$0x3F9E]  }
0x31: {  	[smem:$0x3FA7] =	sst s10  }
0x32: {  	s10 =	sld [smem:$0x3FA5];
	_ =	sdelay $0x3  }
0x33: {  	p0 =	seq.s32 s10, $0x1;
	s10 =	sld [smem:$0x3FA7];
	_ =	sdelay $0x3  }
0x34: {  	[smem:$0x3FA7] =	sst s10  }
0x35: {  	s10 =	sld [smem:$0x3FA6];
	_ =	sdelay $0x3  }
0x36: {  	p1 =	seq.s32 s10, $0x1;
	s10 =	sld [smem:$0x3FA7];
	_ =	sdelay $0x3  }
0x37: {  	[smem:$0x3FA7] =	sst s10  }
0x38: {  	s10 =	sld [smem:$0x3FA8]  }
0x39: {  	_ = 	snop;
	(pc) =	sbr.ind lr, $3  }
0x3a: {  	_ = 	snop  }
0x3b: {  	_ = 	snop  }
0x3c: {  	p2 =	seq.s32 s10, $0x1;
	s10 =	sld [smem:$0x3FA7]  }
0x3d: {  	_ =	shalt  }
0x3e: {  	_ =	shalt  }
0x3f: {  	_ =	shalt  }
0x40: {  	_ =	shalt  }
0x41: {  	_ =	shalt  }
0x42: {  	_ =	shalt  }
0x43: {  	_ =	shalt  }
0x44: {  	_ =	shalt  }
0x45: {  	_ =	shalt  }
0x46: {  	_ =	shalt  }
0x47: {  	_ =	shalt  }
0x48: {  	_ =	shalt  }
0x49: {  	_ =	shalt  }
0x4a: {  	_ =	shalt  }
0x4b: {  	_ =	shalt  }
0x4c: {  	_ =	shalt  }
0x4d: {  	_ =	shalt  }
0x4e: {  	_ =	shalt  }
0x4f: {  	_ =	shalt  }
0x50: {  	_ =	shalt  }
0x51: {  	_ =	shalt  }
0x52: {  	_ =	shalt  }
0x53: {  	_ =	shalt  }
0x54: {  	_ =	shalt  }
0x55: {  	_ =	shalt  }
0x56: {  	_ =	shalt  }
0x57: {  	_ =	shalt  }
0x58: {  	_ =	shalt  }
0x59: {  	_ =	shalt  }
0x5a: {  	_ =	shalt  }
0x5b: {  	_ =	shalt  }
0x5c: {  	_ =	shalt  }
0x5d: {  	_ =	shalt  }
0x5e: {  	_ =	shalt  }
0x5f: {  	_ =	shalt  }
0x60: {  	_ =	shalt  }
0x61: {  	_ =	shalt  }
0x62: {  	_ =	shalt  }
0x63: {  	_ =	shalt  }
0x64: {  	_ =	shalt  }
0x65: {  	_ =	shalt  }
0x66: {  	_ =	shalt  }
0x67: {  	_ =	shalt  }
0x68: {  	_ =	shalt  }
0x69: {  	_ =	shalt  }
0x6a: {  	_ =	shalt  }
0x6b: {  	_ =	shalt  }
0x6c: {  	_ =	shalt  }
0x6d: {  	_ =	shalt  }
0x6e: {  	_ =	shalt  }
0x6f: {  	_ =	shalt  }
0x70: {  	_ =	shalt  }
0x71: {  	_ =	shalt  }
0x72: {  	_ =	shalt  }
0x73: {  	_ =	shalt  }
0x74: {  	_ =	shalt  }
0x75: {  	_ =	shalt  }
0x76: {  	_ =	shalt  }
0x77: {  	_ =	shalt  }
0x78: {  	_ =	shalt  }
0x79: {  	_ =	shalt  }
0x7a: {  	_ =	shalt  }
0x7b: {  	_ =	shalt  }
0x7c: {  	_ =	shalt  }
0x7d: {  	_ =	shalt  }
0x7e: {  	_ =	shalt  }
0x7f: {  	_ =	shalt  }
0x80: {  	_ =	shalt  }
0x81: {  	_ =	shalt  }
0x82: {  	_ =	shalt  }
0x83: {  	_ =	shalt  }
0x84: {  	_ =	shalt  }
0x85: {  	_ =	shalt  }
0x86: {  	_ =	shalt  }
0x87: {  	_ =	shalt  }
.Lfunc_end0:
.L_simem_size_0:
called_computation_lowered:
.L_overlay_start_0:
0x88: {  	s2 =	sld [smem:$0x3FD9]  }
0x89: {  	s3 =	sld [smem:$0x3FFE];
	_ =	sdelay $0x1  }
0x8a: {  	s1 =	srdreg.scid  }
0x8b: {  	s0 =	sand.u32 $0x1, s1  }
0x8c: {  	s17 =	sshll.u32 s0, $0xA;
	s2 =	sadd.s32 s3, s2  }
0x8d: {  	s2 =	sadd.s32 s2, s17  }
0x8e: {  	[smem:$0x3FB3] =	sst s2  }
0x8f: {  	_ = 	snop  }
0x90: {  	s2 =	sld [smem:$0x3FD0];
	(tm) =	ssettm $0x1  }
0x91: {  	s18 =	sld [smem:$0x3FFB];
	_ =	sdelay $0x3  }
0x92: {  	_ =	strace s18  }
0x93: {  	s3 =	sld [smem:$0x3FFC];
	_ =	sdelay $0x3  }
0x94: {  	_ =	strace s3  }
0x95: {  	s3 =	sld [smem:$0x3FFD];
	_ =	sdelay $0x3  }
0x96: {  	_ =	strace s3  }
0x97: {  	_ =	strace $0x8FFFFFFF  }
0x98: {  	s19 =	sld [smem:$0x3FDB];
	_ =	sdelay $0x1  }
0x99: {  	s4 =	simm.s32 $_scs_section_size  }
0x9a: {  	s5 =	simm.s32 $_size__tile_overlayer_lowered;
	s6 =	simm.s32 $_tile_overlayer_lowered  }
0x9b: {  	s22 =	simm.s32 $0x1BFF;
	s21 =	sshll.u32 s6, $0x1;
	s3 =	sadd.s32 s4, s19  }
0x9c: {  	s7 =	simm.s32 $0x0;
	s20 =	sshll.u32 s5, $0x1;
	s5 =	sadd.s32 s21, s3  }
0x9d: {  	[timem:s7], [sflag:s22] =	dma.local [hbm:s5], s20  }
0x9e: {  	_ =	swait.ge [sflag:s22], s20  }
0x9f: {  	s4 =	ssub.s32 $0x0, s20;
	[sflag:s22] =	ssyncset.done $0x0  }
0xa0: {  	[sflag:s22] =	ssyncadd.s32 s4;
	_ =	sdelay $0x1  }
0xa1: {  	s23 =	simm.s32 $0x1B8B  }
0xa2: {  	_ =	swait.ge [sflag:s23], $0x1  }
0xa3: {  	[sflag:s23] =	ssyncset.done $0x0  }
0xa4: {  	s25 =	simm.s32 $0x1B8E;
	s24 =	sld [smem:$0x3FFE];
	[sflag:s23] =	ssyncadd.s32 $0xFFFFFFFF  }
0xa5: {  	s26 =	simm.s32 $execute0_lowered;
	[smem:$0x3FD2] =	sst s25  }
0xa6: {  	s5 =	sshll.u32 s26, $0x1;
	_ =	strace $0x80000046;
	[dreg:$0x1] =	wrdreg $0xFFFFFFFF  }
0xa7: {  	s28 =	simm.s32 $_size_execute0_lowered;
	s3 =	sadd.s32 s3, s5;
	[dreg:$0x0] =	wrdreg $0x0  }
0xa8: {  	s5 =	sshll.u32 s28, $0x1;
	[dreg:$0x2] =	wrdreg s3  }
0xa9: {  	[dreg:$0x3] =	wrdreg s5  }
0xaa: {  	[dreg:$0x4] =	wrdreg $0xC0  }
0xab: {  	_ =	task [dreg:s7], $0x5FFFF  }
0xac: {  	[dreg:$0x1] =	wrdreg $0xFFFFFFFF  }
0xad: {  	[dreg:$0x0] =	wrdreg $0x60  }
0xae: {  	[dreg:$0x2] =	wrdreg s24  }
0xaf: {  	[dreg:$0x3] =	wrdreg s2  }
0xb0: {  	[dreg:$0x4] =	wrdreg $0x0  }
0xb1: {  	[dreg:$0x5] =	wrdreg $0x9  }
0xb2: {  	_ =	task.clear_ibuf [dreg:s7], $0x6FFFF;
	_ =	strace $0x90000046  }
0xb3: {  	s29 =	simm.s32 $0x9;
	_ =	strace $0x80000048  }
0xb4: {  	_ =	swait.ge [sflag:s29], $0x1  }
0xb5: {  	[sflag:s29] =	ssyncadd.s32 $0xFFFFFFFF  }
0xb6: {  	_ =	strace $0x90000048  }
0xb7: {  	_ =	sfence  }
0xb8: {  	s30 =	sld [smem:$0x0];
	_ =	sdelay $0x2  }
0xb9: {  	s31 =	sshll.u32 s1, $0xD;
	s1 =	sshrl.u32 s1, $0x2  }
0xba: {  	s3 =	sand.u32 $0x4000, s31;
	s1 =	sadd.s32 s1, s30  }
0xbb: {  	s0 =	sor.u32 s3, s0;
	s1 =	sshll.u32 s1, $0x11  }
0xbc: {  	s0 =	sor.u32 s1, s0  }
0xbd: {  	s0 =	sadd.s32 $0x8F2B, s0  }
0xbe: {  	[sflag:s0] =	ssyncadd.remote.s32 $0x1  }
0xbf: {  	_ =	sfence.sel $0xFFFF  }
0xc0: {  	[dreg:$0x0] =	wrdreg $0xFFFFFFFF;
	(pc) =	sbr.abs _section_cstart, $3  }
0xc1: {  	[dreg:$0x1] =	wrdreg $0xFFFFFFFF  }
0xc2: {  	_ =	task.clear_ibuf [dreg:s7], $0x2FFFF;
	_ =	strace $0x9FFFFFFF  }
0xc3: {  	(tm) =	ssettm $0x7FFFFFFF  }
tec
execute0_lowered:
.L_overlay_start_1:
0x0: {  	(tag) =	ssettag $0x1  }
0x1: {  	s0 =	rddreg [dreg:$0x0]  }
0x2: {  	s9 =	rddreg [dreg:$0x2];
	s1 =	simm.s32 $0x0;
	s3 =	stileid.u32  }
0x3: {  	s2 =	srdreg.scid;
	s13 =	simm.s32 $0x80;
	s14 =	simm.s32 $0x400  }
0x4: {  	s15 =	simm.s32 $0x1;
	s18 =	simm.s32 $0x14800;
	s19 =	simm.s32 $0x16800  }
0x5: {  	s23 =	simm.s32 $0x3000;
	s24 =	simm.s32 $0x13000;
	[smem:$0x7FF] =	sst s1  }
0x6: {  	s25 =	sshll.u32 s3, $0xB;
	s2 =	sand.u32 $0x1, s2;
	s4 =	sshll.u32 s3, $0x1  }
0x7: {  	s5 =	sadd.s32 $0x32E00, s0;
	s6 =	sadd.s32 $0x2E00, s0;
	s7 =	sadd.s32 $0x6AE00, s0  }
0x8: {  	s8 =	sadd.s32 $0x6B000, s0;
	s29 =	sshll.u32 s3, $0xC;
	s10 =	sshll.u32 s3, $0xF  }
0x9: {  	s31 =	sshll.u32 s3, $0x6;
	_ =	strace $0x80000047;
	s1 =	sand.u32 $0x6000, s25  }
0xa: {  	s4 =	sor.u32 s2, s4;
	[dreg:$0x4] =	wrdreg s7;
	s2 =	ssub.s32 $0x2, s2  }
0xb: {  	s30 =	sadd.s32 s29, s9;
	s20 =	sor.u32 $0x1C01, s31;
	s25 =	simm.s32 $0x18800  }
.Ltmp0:
0xc: {  	s26 =	sshll.u32 s4, $0x4;
	s28 =	sshrl.u32 s2, $0x1;
	(pc) =	sbr.rel .LBB2_1-.Ltmp0, $4  }
0xd: {  	s1 =	sadd.s32 s1, s0;
	s7 =	sand.u32 $0x70, s26;
	s0 =	ssub.s32 s2, s28  }
0xe: {  	s11 =	smul.u32 $0xC000, s4;
	s1 =	sadd.s32 s7, s1;
	s0 =	smax.u32 s0, $0x1  }
0xf: {  	s21 =	sshrl.u32 s30, $0x3;
	s1 =	sadd.s32 $0x62E00, s1;
	[dreg:$0x6] =	wrdreg s0  }
0x10: {  	v0 =	vlaneseq.u32;
	v1 =	vimm.s32 $0x0;
	v2 =	vimm.f32 $0.0e+00;
	s26 =	simm.s32 $0x1A800;
	[dreg:$0x5] =	wrdreg s1;
	s1 =	simm.s32 $0x0  }
.LBB2_17:
0x11: {  	s1 =	rddreg [dreg:$0x7]  }
0x12: {  	s0 =	rddreg [dreg:$0x6];
	s1 =	sadd.s32 $0x1, s1  }
0x13: {  	p0 =	sne.s32 s1, s0  }
.Ltmp1:
0x14: {  	_ = 	snop;
	(pc) =	sbr.rel @!p0 .LBB2_18-.Ltmp1, $1  }
0x15: {  	_ =	sdelay $0x3  }
.LBB2_1:
0x16: {  	[dreg:$0x7] =	wrdreg s1  }
0x17: {  	s1 =	simm.s32 $0x1000;
	s0 =	rddreg [dreg:$0x5]  }
0x18: {  	[tilespmem:s1], [sflag:$0x1] =	stream.strided.gather [hbm4b:s0+s13], $0x2000, s14, s13, $0x38;
	[tilespmem:$0x1B000] =	vst v63  }
0x19: {  	_ =	swait.ge [sflag:s15], $0x2000  }
0x1a: {  	[sflag:s15] =	ssyncset.done $0x0  }
0x1b: {  	[sflag:s15] =	ssyncadd.s32 $0xFFFFE000  }
0x1c: {  	s2 =	simm.s32 $0x0;
	s3 =	simm.s32 $0x13800;
	s29 =	rddreg [dreg:$0x1]  }
0x1d: {  	[tilespmem:s3], [sflag:$0x1] =	stream.linear.gather [hbm4b:s29+s2], $0x800, $0x38;
	[tilespmem:$0x1B000] =	vst v63  }
0x1e: {  	_ =	swait.ge [sflag:s15], $0x800  }
0x1f: {  	[sflag:s15] =	ssyncset.done $0x0  }
0x20: {  	s31 =	simm.s32 $0x14000;
	s30 =	rddreg [dreg:$0x4];
	[sflag:s15] =	ssyncadd.s32 $0xFFFFF800  }
0x21: {  	[tilespmem:s31], [sflag:$0x1] =	stream.linear.gather [hbm4b:s30+s2], $0x800, $0x38;
	[tilespmem:$0x1B000] =	vst v63  }
0x22: {  	_ =	swait.ge [sflag:s15], $0x800  }
0x23: {  	[sflag:s15] =	ssyncset.done $0x0  }
0x24: {  	[sflag:s15] =	ssyncadd.s32 $0xFFFFF800  }
0x25: {  	v3 =	vld [tilespmem:s1+$0x0]  }
0x26: {  	v4 =	vimm.s32 $0x0;
	s0 =	simm.s32 $0x0;
	s2 =	simm.s32 $0x1  }
.LBB2_2:
0x27: {  	p0 =	sne.s32 s2, $0x1FF;
	_ =	sdelay $0x2  }
0x28: {  	v3 =	vsub.f32 $0.0e+00, v3;
	_ =	sdelay $0x1  }
0x29: {  	v3 =	vmul.f32 $1.442695020e+00, v3;
	_ =	sdelay $0x1  }
0x2a: {  	(erf) = vpow2.f32 v3;
	_ =	sdelay $0x8  }
0x2b: {  	v3 =	vpop (erf)  }
0x2c: {  	v3 =	vadd.f32 $1.000000000e+00, v3;
	_ =	sdelay $0x1  }
0x2d: {  	(erf) = vrcp.f32 v3;
	_ =	sdelay $0x8  }
0x2e: {  	v3 =	vpop (erf)  }
0x2f: {  	v5 =	vshll.u32 v4, $0x4;
	vm0 =	vgt.f32 v3, $8.999999760e-01  }
0x30: {  	v5 =	vor.u32 v0, v5;
	v6 =	vsel vm0, $0x1, v1  }
0x31: {  	v4 =	vadd.s32 v6, v4;
	_ =	sdelay $0x2  }
.Ltmp2:
0x32: {  	v6 =	vmov s0;
	s0 =	smov.u32 s2;
	(pc) =	sbr.rel @p0 .LBB2_2-.Ltmp2, $4  }
0x33: {  	[tilespmem:v5+s18+$0x0] =	vst.idx.msk vm0, v6  }
0x34: {  	s1 =	sadd.s32 $0x10, s1;
	[tilespmem:v5+s19+$0x0] =	vst.idx.msk vm0, v3  }
0x35: {  	v3 =	vld [tilespmem:s1+$0x0]  }
0x36: {  	s2 =	sadd.s32 $0x1, s2  }
0x37: {  	_ =	sdelay $0x2  }
0x38: {  	v3 =	vsub.f32 $0.0e+00, v3;
	_ =	sdelay $0x1  }
0x39: {  	v3 =	vmul.f32 $1.442695020e+00, v3;
	_ =	sdelay $0x1  }
0x3a: {  	(erf) = vpow2.f32 v3;
	_ =	sdelay $0x8  }
0x3b: {  	v3 =	vpop (erf)  }
0x3c: {  	v3 =	vadd.f32 $1.000000000e+00, v3;
	_ =	sdelay $0x1  }
0x3d: {  	(erf) = vrcp.f32 v3;
	_ =	sdelay $0x8  }
0x3e: {  	v5 =	vpop (erf)  }
0x3f: {  	vm0 =	vgt.f32 v5, $8.999999760e-01  }
0x40: {  	v3 =	vsel vm0, $0x1, v1  }
0x41: {  	v3 =	vadd.s32 v3, v4  }
0x42: {  	v6 =	vxor.u32 $0x80000000, v3  }
0x43: {  	(xrf0) =	vmax.scan.msk.u32 $0xffff, v6;
	_ =	sdelay $0x5  }
0x44: {  	v6, _, _ =	vpop (xrf0)  }
0x45: {  	(v2sf) =	vpush v6, $0xF;
	_ =	sdelay $0xe  }
0x46: {  	v4 =	vshll.u32 v4, $0x4;
	s1 =	spop (v2sf)  }
0x47: {  	v4 =	vor.u32 v0, v4;
	s29 =	sxor.u32 $0x80000000, s1  }
0x48: {  	s1 =	sshra.s32 s29, $0x1F  }
.Ltmp3:
0x49: {  	s1 =	sshrl.u32 s1, $0x1E;
	(pc) =	sbr.rel .LBB2_4-.Ltmp3, $4  }
0x4a: {  	s1 =	sadd.s32 s1, s29  }
0x4b: {  	v63 =	vmov s0;
	p0 =	slt.s32 s29, $0x1;
	s30 =	sand.u32 $0xFFFFFFFC, s1  }
0x4c: {  	[tilespmem:v4+s18+$0x0] =	vst.idx.msk vm0, v63;
	p3 =	sgt.s32 s29, $0x0;
	s1 =	simm.s32 $0x0;
	s31 =	ssub.s32 s30, s29  }
0x4d: {  	[tilespmem:v4+s19+$0x0] =	vst.idx.msk vm0, v5;
	s0 =	sshll.u32 s30, $0x4;
	p1 =	sgt.s32 s30, $0x0;
	p2 =	sge.s32 s30, s29  }
.LBB2_16:
0x4e: {  	s1 =	sadd.s32 $0x1, s1  }
0x4f: {  	p4 =	sne.s32 s1, $0x14  }
.Ltmp4:
0x50: {  	s2 =	sadd.s32 s8, s2;
	(pc) =	sbr.rel @!p4 .LBB2_17-.Ltmp4, $4  }
0x51: {  	[hbm4b:s2+s13] =	stream.strided.scatter [tilespmem:s26], [sflag:$0x1], $0x800, s14, s13, $0x38;
	[tilespmem:$0x1B000] =	vst v63  }
0x52: {  	_ =	swait.ge [sflag:s15], $0x800  }
0x53: {  	[sflag:s15] =	ssyncset.done $0x0  }
0x54: {  	[sflag:s15] =	ssyncadd.s32 $0xFFFFF800  }
.LBB2_4:
0x55: {  	s2 =	sshrl.u32 s1, $0x3  }
0x56: {  	s7 =	sshll.u32 s1, $0x7;
	s4 =	sshll.u32 s2, $0x13  }
0x57: {  	s7 =	sand.u32 $0x380, s7;
	s4 =	sor.u32 s10, s4  }
0x58: {  	s4 =	sor.u32 s7, s4  }
0x59: {  	s4 =	sshrl.u32 s4, $0x3  }
0x5a: {  	s3 =	simm.s32 $0x10;
	s4 =	sadd.s32 s5, s4  }
0x5b: {  	[spmem:s21@s3], [sflag:s20] =	dma.strided [hbm:s4@s13], $0x200, s15, $0x10   }
0x5c: {  	_ =	swait.ge [sflag:s15], $0x200  }
0x5d: {  	[sflag:s15] =	ssyncset.done $0x0  }
0x5e: {  	[sflag:s15] =	ssyncadd.s32 $0xFFFFFE00  }
0x5f: {  	[bflag:$0x0] =	sbarrier.arrive $0xFFFF  }
0x60: {  	s2 =	sshll.u32 s2, $0xE;
	s22 =	rddreg [dreg:$0x2]  }
0x61: {  	[tilespmem:s23], [sflag:$0x1] =	stream.linear.gather [spmem:s22], $0x10000, $0x38;
	[tilespmem:$0x1B000] =	vst v63  }
0x62: {  	s2 =	sadd.s32 s11, s2;
	_ =	swait.ge [sflag:s15], $0x10000  }
0x63: {  	s2 =	sor.u32 s7, s2;
	[sflag:s15] =	ssyncset.done $0x0  }
0x64: {  	s2 =	sshrl.u32 s2, $0x3;
	[sflag:s15] =	ssyncadd.s32 $0xFFFF0000  }
.Ltmp5:
0x65: {  	s28 =	sadd.s32 s6, s2;
	[bflag:$0x0] =	sbarrier.arrive $0xFFFF;
	(pc) =	sbr.rel @p0 .LBB2_5-.Ltmp5, $4  }
0x66: {  	[tilespmem:s24], [sflag:$0x1] =	stream.strided.gather [hbm4b:s28+s13], $0x800, s14, s13, $0x38;
	[tilespmem:$0x1B000] =	vst v63  }
0x67: {  	_ =	swait.ge [sflag:s15], $0x800  }
0x68: {  	[sflag:s15] =	ssyncset.done $0x0  }
0x69: {  	[sflag:s15] =	ssyncadd.s32 $0xFFFFF800  }
0x6a: {  	s16 =	simm.s32 $0x0;
	v4 =	vimm.f32 $-1.000000020e+30;
	s17 =	simm.s32 $0x0  }
.LBB2_20:
0x6b: {  	s7 =	simm.s32 $0x14040  }
0x6c: {  	s4 =	sshll.u32 s17, $0x4;
	v8 =	vld [tilespmem:s7+$0x30]  }
0x6d: {  	v5 =	vor.u32 s4, v0;
	v12 =	vld [tilespmem:s7+$0x20]  }
0x6e: {  	v14 =	vld [tilespmem:s7+$0x10]  }
0x6f: {  	v22 =	vld [tilespmem:s7+$0xFFFFFFE0]  }
0x70: {  	v27 =	vld [tilespmem:s7+$0xFFFFFFC0]  }
0x71: {  	v29 =	vld [tilespmem:s7+$0xFFFFFFD0]  }
0x72: {  	v7 =	vld.idx.msk [tilespmem:v5+s18+$0x0], $0xffff  }
0x73: {  	s4 =	simm.s32 $0x13040;
	v57 =	vld [tilespmem:s7+$0xFFFFFFF0]  }
0x74: {  	v11 =	vmov s16;
	v9 =	vld [tilespmem:s4+$0x30]  }
0x75: {  	s9 =	simm.s32 $0x1;
	v15 =	vmov s17;
	v11 =	vand.u32 $0x78, v11;
	v10 =	vld [tilespmem:s4+$0x20]  }
0x76: {  	s3 =	simm.s32 $0x2;
	v16 =	vmov s9;
	vm0 =	vlt.s32 v15, v3;
	v13 =	vld [tilespmem:s4+$0x10];
	v11 =	vbroadcast v11, $0x0  }
0x77: {  	s12 =	simm.s32 $0x3;
	v18 =	vmov s3;
	v17 =	vld [tilespmem:s4+$0x0];
	v15 =	vand.u32 $0x79, v16;
	v7 =	vshll.u32 v7, $0x7  }
0x78: {  	s22 =	simm.s32 $0x4;
	v20 =	vmov s12;
	v16 =	vld [tilespmem:s7+$0x0];
	v15 =	vbroadcast v15, $0x0;
	v11 =	vor.u32 v7, v11  }
0x79: {  	v24 =	vmov s22;
	v19 =	vld [tilespmem:s4+$0xFFFFFFF0];
	v18 =	vand.u32 $0x7A, v18;
	v20 =	vand.u32 $0x7B, v20  }
0x7a: {  	s3 =	simm.s32 $0x5;
	s9 =	simm.s32 $0x6;
	v21 =	vld [tilespmem:s4+$0xFFFFFFE0];
	v24 =	vand.u32 $0x7C, v24;
	v18 =	vbroadcast v18, $0x0;
	v15 =	vor.u32 v7, v15  }
0x7b: {  	v25 =	vld [tilespmem:s4+$0xFFFFFFC0];
	v26 =	vmov s3;
	v28 =	vmov s9;
	v20 =	vbroadcast v20, $0x0  }
0x7c: {  	v24 =	vbroadcast v24, $0x0;
	v26 =	vand.u32 $0x7D, v26;
	v6 =	vld.idx.msk [tilespmem:v5+s19+$0x0], $0xffff;
	v18 =	vor.u32 v7, v18  }
0x7d: {  	v28 =	vand.u32 $0x7E, v28;
	v26 =	vbroadcast v26, $0x0;
	v20 =	vor.u32 v7, v20;
	v11 =	vld.idx.msk [tilespmem:v11+s23+$0x0], vm0  }
0x7e: {  	v23 =	vld [tilespmem:s4+$0xFFFFFFD0];
	v28 =	vbroadcast v28, $0x0;
	v24 =	vor.u32 v7, v24  }
0x7f: {  	s7 =	simm.s32 $0x13840;
	v26 =	vor.u32 v7, v26;
	v15 =	vld.idx.msk [tilespmem:v15+s23+$0x0], vm0  }
0x80: {  	v58 =	vld [tilespmem:s7+$0xFFFFFFC0];
	v28 =	vor.u32 v7, v28  }
0x81: {  	s12 =	simm.s32 $0x7;
	v18 =	vld.idx.msk [tilespmem:v18+s23+$0x0], vm0  }
0x82: {  	v56 =	vmul.f32 v27, v6;
	v32 =	vor.u32 s12, v7;
	v20 =	vld.idx.msk [tilespmem:v20+s23+$0x0], vm0;
	v11 =	vadd.f32 v25, v11  }
0x83: {  	v30 =	vimm.f32 $0.0e+00;
	v33 =	vmul.f32 v8, v6;
	v22 =	vmul.f32 v22, v6;
	v24 =	vld.idx.msk [tilespmem:v24+s23+$0x0], vm0  }
0x84: {  	s4 =	simm.s32 $0x8;
	v26 =	vld.idx.msk [tilespmem:v26+s23+$0x0], vm0;
	v15 =	vadd.f32 v23, v15;
	v23 =	vmul.f32 v29, v6;
	v8 =	vadd.f32 v56, v11  }
0x85: {  	v31 =	vmov s4;
	v12 =	vmul.f32 v12, v6;
	v16 =	vmul.f32 v16, v6;
	v60 =	vld.idx.msk [tilespmem:v28+s23+$0x0], vm0  }
0x86: {  	v18 =	vadd.f32 v21, v18;
	v15 =	vadd.f32 v23, v15;
	v23 =	vld [tilespmem:s7+$0xFFFFFFD0];
	v59 =	vmul.f32 $2.000000030e-01, v8  }
0x87: {  	v61 =	vld.idx.msk [tilespmem:v32+s23+$0x0], vm0;
	v19 =	vadd.f32 v19, v20;
	v20 =	vmul.f32 v57, v6;
	v21 =	vmul.f32 v14, v6  }
0x88: {  	v18 =	vadd.f32 v22, v18;
	v22 =	vld [tilespmem:s7+$0xFFFFFFE0];
	v14 =	vmul.f32 $2.000000030e-01, v15;
	v8 =	vmax.f32 v8, v59  }
0x89: {  	v17 =	vadd.f32 v17, v24;
	v13 =	vadd.f32 v13, v26;
	v8 =	vmul.f32 v8, v58  }
0x8a: {  	v19 =	vadd.f32 v20, v19;
	v20 =	vld [tilespmem:s7+$0xFFFFFFF0];
	v14 =	vmax.f32 v15, v14;
	v15 =	vmul.f32 $2.000000030e-01, v18  }
0x8b: {  	v62 =	vld [tilespmem:s7+$0x0];
	v10 =	vadd.f32 v10, v60;
	v23 =	vmul.f32 v14, v23;
	v8 =	vadd.f32 v8, v30  }
0x8c: {  	v63 =	vld [tilespmem:s7+$0x10];
	s12 =	simm.s32 $0x130C0;
	v16 =	vadd.f32 v16, v17;
	v15 =	vmax.f32 v18, v15;
	v18 =	vmul.f32 $2.000000030e-01, v19  }
0x8d: {  	v24 =	vadd.f32 v9, v61;
	v9 =	vld [tilespmem:s12+$0x20];
	v22 =	vmul.f32 v15, v22;
	v17 =	vadd.f32 v23, v8  }
0x8e: {  	s22 =	simm.s32 $0xB;
	v14 =	vld [tilespmem:s7+$0x30];
	v18 =	vmax.f32 v19, v18;
	v19 =	vmul.f32 $2.000000030e-01, v16;
	v23 =	vadd.f32 v21, v13  }
0x8f: {  	v11 =	vmov s22;
	v15 =	vld [tilespmem:s7+$0x20];
	v18 =	vmul.f32 v18, v20;
	v22 =	vadd.f32 v22, v17  }
0x90: {  	s28 =	simm.s32 $0x9;
	s9 =	simm.s32 $0x140C0;
	v8 =	vld [tilespmem:s12+$0x30];
	v16 =	vmax.f32 v16, v19;
	v19 =	vmul.f32 $2.000000030e-01, v23;
	v17 =	vadd.f32 v12, v10  }
0x91: {  	v13 =	vld [tilespmem:s9+$0x30];
	v21 =	vmov s28;
	v25 =	vmul.f32 v16, v62;
	v18 =	vadd.f32 v18, v22  }
0x92: {  	v12 =	vld [tilespmem:s9+$0x20];
	v16 =	vadd.f32 v33, v24;
	v19 =	vmax.f32 v23, v19;
	v20 =	vmul.f32 $2.000000030e-01, v17  }
0x93: {  	s28 =	simm.s32 $0x10;
	v10 =	vld [tilespmem:s12+$0x10];
	v22 =	vand.u32 $0x78, v31;
	v19 =	vmul.f32 v19, v63;
	v18 =	vadd.f32 v25, v18  }
.LBB2_21:
0x94: {  	p4 =	slt.u32 s28, $0x78;
	v21 =	vand.u32 $0x79, v21;
	v23 =	vld [tilespmem:s9+$0x10];
	v17 =	vmax.f32 v17, v20;
	v20 =	vmul.f32 $2.000000030e-01, v16  }
0x95: {  	v22 =	vbroadcast v22, $0x0;
	s3 =	sadd.s32 $0x2, s4;
	v24 =	vld [tilespmem:s12+$0x0];
	v18 =	vadd.f32 v19, v18;
	v15 =	vmul.f32 v17, v15  }
0x96: {  	v17 =	vbroadcast v21, $0x0;
	v19 =	vmov s3;
	v21 =	vld [tilespmem:s9+$0x0];
	v16 =	vmax.f32 v16, v20  }
0x97: {  	v20 =	vor.u32 v7, v22;
	v22 =	vld [tilespmem:s12+$0xFFFFFFF0];
	v15 =	vadd.f32 v15, v18;
	v14 =	vmul.f32 v16, v14  }
0x98: {  	v11 =	vand.u32 $0x7B, v11;
	v16 =	vand.u32 $0x7A, v19;
	v18 =	vld [tilespmem:s12+$0xFFFFFFE0]  }
0x99: {  	s3 =	sadd.s32 $0x4, s4;
	v17 =	vor.u32 v7, v17;
	v16 =	vbroadcast v16, $0x0;
	v19 =	vld [tilespmem:s9+$0xFFFFFFE0];
	v14 =	vadd.f32 v14, v15  }
0x9a: {  	v11 =	vbroadcast v11, $0x0;
	v25 =	vmov s3;
	v15 =	vld [tilespmem:s12+$0xFFFFFFD0]  }
0x9b: {  	s3 =	sadd.s32 $0x5, s4;
	v25 =	vand.u32 $0x7C, v25;
	v16 =	vor.u32 v7, v16;
	v26 =	vld [tilespmem:s12+$0xFFFFFFC0]  }
0x9c: {  	v11 =	vor.u32 v7, v11;
	v27 =	vmov s3;
	v25 =	vbroadcast v25, $0x0;
	v20 =	vld.idx.msk [tilespmem:v20+s23+$0x0], vm0  }
0x9d: {  	s3 =	sadd.s32 $0x6, s4;
	v27 =	vand.u32 $0x7D, v27;
	v28 =	vld [tilespmem:s9+$0xFFFFFFC0]  }
0x9e: {  	v29 =	vmov s3;
	v27 =	vbroadcast v27, $0x0;
	v25 =	vor.u32 v7, v25;
	v17 =	vld.idx.msk [tilespmem:v17+s23+$0x0], vm0  }
0x9f: {  	v29 =	vand.u32 $0x7E, v29;
	v30 =	vld [tilespmem:s9+$0xFFFFFFD0]  }
0xa0: {  	v29 =	vbroadcast v29, $0x0;
	v27 =	vor.u32 v7, v27;
	v16 =	vld.idx.msk [tilespmem:v16+s23+$0x0], vm0  }
0xa1: {  	v31 =	vld.idx.msk [tilespmem:v11+s23+$0x0], vm0  }
0xa2: {  	s3 =	sadd.s32 $0x7, s4;
	s4 =	smov.u32 s28;
	v11 =	vadd.f32 v26, v20;
	v20 =	vmul.f32 v28, v6;
	v26 =	vld [tilespmem:s9+$0xFFFFFFF0];
	v28 =	vor.u32 v7, v29  }
0xa3: {  	s7 =	sadd.s32 $0x80, s7;
	v33 =	vmul.f32 v13, v6;
	v32 =	vor.u32 s3, v7;
	v29 =	vmov s28;
	v25 =	vld.idx.msk [tilespmem:v25+s23+$0x0], vm0  }
0xa4: {  	s3 =	sadd.s32 $0x3, s28;
	v15 =	vadd.f32 v15, v17;
	v13 =	vadd.f32 v20, v11;
	v20 =	vld [tilespmem:s7+$0xFFFFFFC0];
	v17 =	vmul.f32 v30, v6  }
0xa5: {  	v12 =	vmul.f32 v12, v6;
	v19 =	vmul.f32 v19, v6;
	v11 =	vmov s3;
	v27 =	vld.idx.msk [tilespmem:v27+s23+$0x0], vm0  }
0xa6: {  	v16 =	vadd.f32 v18, v16;
	v30 =	vmul.f32 $2.000000030e-01, v13;
	v15 =	vadd.f32 v17, v15;
	v17 =	vld [tilespmem:s7+$0xFFFFFFD0]  }
0xa7: {  	v23 =	vmul.f32 v23, v6;
	v18 =	vadd.f32 v22, v31;
	v22 =	vmul.f32 v26, v6;
	v26 =	vld.idx.msk [tilespmem:v28+s23+$0x0], vm0  }
0xa8: {  	v16 =	vadd.f32 v19, v16;
	v13 =	vmax.f32 v13, v30;
	v28 =	vmul.f32 $2.000000030e-01, v15;
	v19 =	vld [tilespmem:s7+$0xFFFFFFE0]  }
0xa9: {  	v21 =	vmul.f32 v21, v6;
	v13 =	vmul.f32 v13, v20;
	v20 =	vadd.f32 v24, v25;
	v24 =	vld.idx.msk [tilespmem:v32+s23+$0x0], vm0  }
0xaa: {  	v25 =	vmul.f32 $2.000000030e-01, v16;
	v18 =	vadd.f32 v22, v18;
	v15 =	vmax.f32 v15, v28;
	v22 =	vld [tilespmem:s7+$0xFFFFFFF0]  }
0xab: {  	v10 =	vadd.f32 v10, v27;
	v13 =	vadd.f32 v13, v14;
	v15 =	vmul.f32 v15, v17;
	v14 =	vld [tilespmem:s7+$0x30]  }
0xac: {  	v16 =	vmax.f32 v16, v25;
	v17 =	vmul.f32 $2.000000030e-01, v18;
	v20 =	vadd.f32 v21, v20;
	v25 =	vld [tilespmem:s7+$0x0]  }
0xad: {  	v9 =	vadd.f32 v9, v26;
	v13 =	vadd.f32 v15, v13;
	v16 =	vmul.f32 v16, v19;
	v15 =	vld [tilespmem:s7+$0x20]  }
0xae: {  	s12 =	sadd.s32 $0x80, s12;
	v10 =	vadd.f32 v23, v10;
	v17 =	vmax.f32 v18, v17;
	v18 =	vmul.f32 $2.000000030e-01, v20;
	v19 =	vld [tilespmem:s7+$0x10]  }
.Ltmp6:
0xaf: {  	s9 =	sadd.s32 $0x80, s9;
	v23 =	vadd.f32 v8, v24;
	v16 =	vadd.f32 v16, v13;
	v22 =	vmul.f32 v17, v22;
	v8 =	vld [tilespmem:s12+$0x30];
	(pc) =	sbr.rel @p4 .LBB2_21-.Ltmp6, $4  }
0xb0: {  	s3 =	sadd.s32 $0x1, s28;
	v18 =	vmax.f32 v20, v18;
	v20 =	vmul.f32 $2.000000030e-01, v10;
	v17 =	vadd.f32 v12, v9;
	v13 =	vld [tilespmem:s9+$0x30]  }
0xb1: {  	v21 =	vmov s3;
	v9 =	vld [tilespmem:s12+$0x20];
	v24 =	vadd.f32 v22, v16;
	v18 =	vmul.f32 v18, v25  }
0xb2: {  	v25 =	vmax.f32 v10, v20;
	v20 =	vmul.f32 $2.000000030e-01, v17;
	v16 =	vadd.f32 v33, v23;
	v12 =	vld [tilespmem:s9+$0x20]  }
0xb3: {  	s28 =	sadd.s32 $0x8, s28;
	v22 =	vand.u32 $0x78, v29;
	v10 =	vld [tilespmem:s12+$0x10];
	v18 =	vadd.f32 v18, v24;
	v19 =	vmul.f32 v25, v19  }
0xb4: {  	v23 =	vld [tilespmem:s9+$0x10]  }
0xb5: {  	v24 =	vld [tilespmem:s12+$0x0]  }
0xb6: {  	v22 =	vbroadcast v22, $0x0;
	v25 =	vld [tilespmem:s9+$0x0]  }
0xb7: {  	v21 =	vand.u32 $0x79, v21;
	s3 =	sadd.s32 $0x2, s4;
	v27 =	vld [tilespmem:s12+$0xFFFFFFF0]  }
0xb8: {  	v28 =	vld [tilespmem:s12+$0xFFFFFFE0];
	v21 =	vbroadcast v21, $0x0;
	v26 =	vmov s3;
	v22 =	vor.u32 v7, v22  }
0xb9: {  	v29 =	vld [tilespmem:s9+$0xFFFFFFE0];
	v26 =	vand.u32 $0x7A, v26  }
0xba: {  	v11 =	vand.u32 $0x7B, v11;
	s22 =	sadd.s32 $0x4, s4;
	v31 =	vld [tilespmem:s12+$0xFFFFFFC0];
	v21 =	vor.u32 v7, v21;
	v26 =	vbroadcast v26, $0x0  }
0xbb: {  	v33 =	vld [tilespmem:s9+$0xFFFFFFC0];
	v11 =	vbroadcast v11, $0x0;
	v30 =	vmov s22  }
0xbc: {  	s28 =	sadd.s32 $0x5, s4;
	v17 =	vmax.f32 v17, v20;
	v36 =	vld [tilespmem:s12+$0xFFFFFFD0];
	v30 =	vand.u32 $0x7C, v30;
	v26 =	vor.u32 v7, v26  }
0xbd: {  	s12 =	sadd.s32 $0x6, s4;
	v32 =	vmov s28;
	v11 =	vor.u32 v7, v11;
	v30 =	vbroadcast v30, $0x0;
	v22 =	vld.idx.msk [tilespmem:v22+s23+$0x0], vm0  }
0xbe: {  	v37 =	vld [tilespmem:s9+$0xFFFFFFD0];
	v39 =	vmul.f32 $2.000000030e-01, v16;
	v34 =	vmov s12;
	v32 =	vand.u32 $0x7D, v32  }
0xbf: {  	v18 =	vadd.f32 v19, v18;
	v32 =	vbroadcast v32, $0x0;
	v30 =	vor.u32 v7, v30;
	v21 =	vld.idx.msk [tilespmem:v21+s23+$0x0], vm0  }
0xc0: {  	v41 =	vld [tilespmem:s9+$0xFFFFFFF0];
	v15 =	vmul.f32 v17, v15;
	v13 =	vmul.f32 v13, v6;
	v38 =	vand.u32 $0x7E, v34  }
0xc1: {  	v16 =	vmax.f32 v16, v39;
	v19 =	vbroadcast v38, $0x0;
	v32 =	vor.u32 v7, v32;
	v26 =	vld.idx.msk [tilespmem:v26+s23+$0x0], vm0  }
0xc2: {  	s28 =	sadd.s32 $0x80, s7;
	v15 =	vadd.f32 v15, v18;
	v40 =	vmul.f32 v33, v6;
	v11 =	vld.idx.msk [tilespmem:v11+s23+$0x0], vm0;
	v22 =	vadd.f32 v31, v22  }
0xc3: {  	v44 =	vld [tilespmem:s28+$0xFFFFFFC0];
	v14 =	vmul.f32 v16, v14;
	v12 =	vmul.f32 v12, v6;
	v19 =	vor.u32 v7, v19  }
0xc4: {  	s22 =	sadd.s32 $0x7, s4;
	v17 =	vmul.f32 v37, v6;
	v43 =	vld.idx.msk [tilespmem:v30+s23+$0x0], vm0;
	v20 =	vadd.f32 v36, v21;
	v42 =	vadd.f32 v40, v22  }
0xc5: {  	v48 =	vld [tilespmem:s28+$0xFFFFFFD0];
	v7 =	vor.u32 s22, v7;
	v14 =	vadd.f32 v14, v15;
	v45 =	vmul.f32 v29, v6  }
0xc6: {  	v46 =	vld.idx.msk [tilespmem:v32+s23+$0x0], vm0;
	v17 =	vadd.f32 v17, v20;
	v26 =	vadd.f32 v28, v26;
	v47 =	vmul.f32 $2.000000030e-01, v42  }
0xc7: {  	v50 =	vld [tilespmem:s28+$0xFFFFFFE0];
	v18 =	vmul.f32 v41, v6;
	v23 =	vmul.f32 v23, v6;
	v11 =	vadd.f32 v27, v11  }
0xc8: {  	v19 =	vld.idx.msk [tilespmem:v19+s23+$0x0], vm0;
	v49 =	vmul.f32 $2.000000030e-01, v17;
	v15 =	vadd.f32 v45, v26;
	v16 =	vmax.f32 v42, v47  }
0xc9: {  	v53 =	vld [tilespmem:s28+$0xFFFFFFF0];
	v6 =	vmul.f32 v25, v6;
	v51 =	vadd.f32 v24, v43;
	v16 =	vmul.f32 v16, v44  }
0xca: {  	v7 =	vld.idx.msk [tilespmem:v7+s23+$0x0], vm0;
	v11 =	vadd.f32 v18, v11;
	v17 =	vmax.f32 v17, v49;
	v52 =	vmul.f32 $2.000000030e-01, v15  }
0xcb: {  	v10 =	vadd.f32 v10, v46;
	v54 =	vmul.f32 v17, v48;
	v14 =	vadd.f32 v16, v14  }
0xcc: {  	v56 =	vld [tilespmem:s28+$0x0];
	v55 =	vmul.f32 $2.000000030e-01, v11;
	v6 =	vadd.f32 v6, v51;
	v15 =	vmax.f32 v15, v52  }
0xcd: {  	v9 =	vadd.f32 v9, v19;
	v15 =	vmul.f32 v15, v50;
	v14 =	vadd.f32 v54, v14  }
0xce: {  	v58 =	vld [tilespmem:s28+$0x10];
	v10 =	vadd.f32 v23, v10;
	v11 =	vmax.f32 v11, v55;
	v57 =	vmul.f32 $2.000000030e-01, v6  }
0xcf: {  	v7 =	vadd.f32 v8, v7;
	v11 =	vmul.f32 v11, v53;
	v14 =	vadd.f32 v15, v14  }
0xd0: {  	v59 =	vld [tilespmem:s28+$0x20];
	v9 =	vadd.f32 v12, v9;
	v60 =	vmul.f32 $2.000000030e-01, v10;
	v6 =	vmax.f32 v6, v57  }
0xd1: {  	v6 =	vmul.f32 v6, v56;
	v11 =	vadd.f32 v11, v14  }
0xd2: {  	v61 =	vld [tilespmem:s28+$0x30];
	v7 =	vadd.f32 v13, v7;
	v62 =	vmul.f32 $2.000000030e-01, v9;
	v10 =	vmax.f32 v10, v60  }
0xd3: {  	v10 =	vmul.f32 v10, v58;
	v6 =	vadd.f32 v6, v11  }
0xd4: {  	v63 =	vmul.f32 $2.000000030e-01, v7;
	v9 =	vmax.f32 v9, v62  }
0xd5: {  	v8 =	vmul.f32 v9, v59;
	v6 =	vadd.f32 v10, v6  }
0xd6: {  	s17 =	sadd.s32 $0x1, s17;
	v7 =	vmax.f32 v7, v63  }
0xd7: {  	p4 =	seq.s32 s17, s29;
	v7 =	vmul.f32 v7, v61;
	v6 =	vadd.f32 v8, v6  }
.Ltmp7:
0xd8: {  	_ = 	snop;
	(pc) =	sbr.rel @!p4 .LBB2_20-.Ltmp7, $4  }
.Ltmp8:
0xd9: {  	v6 =	vadd.f32 v7, v6;
	(pc) =	sbr.rel @p4 .LBB2_6-.Ltmp8, $4  }
0xda: {  	_ = 	snop  }
0xdb: {  	v6 =	vnsel vm0, $0xF149F2CA, v6  }
0xdc: {  	[tilespmem:v5+s25+$0x0] =	vst.idx.msk $0xffff, v6;
	v4 =	vmax.f32 v4, v6  }
0xdd: {  	_ = 	snop  }
.LBB2_5:
0xde: {  	v4 =	vimm.f32 $-1.000000020e+30  }
.LBB2_6:
.Ltmp9:
0xdf: {  	(pc) =	sbr.rel @!p1 .LBB2_7-.Ltmp9, $1  }
0xe0: {  	_ =	sdelay $0x3  }
0xe1: {  	s3 =	simm.s32 $0x0  }
0xe2: {  	s22 =	simm.s32 $0x10;
	v10 =	vor.u32 s3, v0  }
0xe3: {  	s28 =	simm.s32 $0x20;
	v9 =	vor.u32 s22, v0  }
0xe4: {  	p6 =	sgt.s32 s30, $0x4;
	v8 =	vor.u32 s28, v0  }
.Ltmp10:
0xe5: {  	s7 =	simm.s32 $0x30;
	(pc) =	sbr.rel @!p6 .LBB2_24-.Ltmp10, $4  }
0xe6: {  	v6 =	vor.u32 s7, v0  }
0xe7: {  	v16 =	vld.idx.msk [tilespmem:v10+s25+$0x0], $0xffff  }
0xe8: {  	s9 =	simm.s32 $0x0;
	s4 =	simm.s32 $0x4;
	v13 =	vld.idx.msk [tilespmem:v9+s25+$0x0], $0xffff  }
0xe9: {  	v5 =	vimm.f32 $0.0e+00;
	s12 =	simm.s32 $0x70;
	p4 =	por $0x0, $0x0;
	p5 =	por $0x0, $0x0;
	v17 =	vld.idx.msk [tilespmem:v8+s25+$0x0], $0xffff  }
0xea: {  	_ =	sdelay $0x2  }
0xeb: {  	s3 =	simm.s32 $0x40  }
0xec: {  	v7 =	vld.idx.msk [tilespmem:v6+s25+$0x0], $0xffff;
	s22 =	simm.s32 $0x60;
	v15 =	vor.u32 s3, v0  }
0xed: {  	s17 =	simm.s32 $0x50;
	v11 =	vor.u32 s22, v0;
	v14 =	vsub.f32 v16, v4  }
0xee: {  	p6 =	sgt.s32 s30, $0x8;
	v12 =	vor.u32 s17, v0;
	v13 =	vsub.f32 v13, v4  }
.Ltmp11:
0xef: {  	v14 =	vmul.f32 $1.442695020e+00, v14;
	v17 =	vsub.f32 v17, v4;
	(pc) =	sbr.rel @!p6 .LBB2_26-.Ltmp11, $4  }
0xf0: {  	v13 =	vmul.f32 $1.442695020e+00, v13  }
0xf1: {  	v7 =	vsub.f32 v7, v4;
	(erf) = vpow2.f32 v14;
	v16 =	vld.idx.msk [tilespmem:v15+s25+$0x0], $0xffff;
	v14 =	vmul.f32 $1.442695020e+00, v17  }
0xf2: {  	s7 =	simm.s32 $0x8;
	v18 =	vor.u32 s12, v0;
	s28 =	simm.s32 $0x3;
	v22 =	vmov s9;
	v17 =	vld.idx.msk [tilespmem:v11+s25+$0x0], $0xffff;
	(erf) = vpow2.f32 v13  }
0xf3: {  	s12 =	simm.s32 $0xB0;
	s16 =	simm.s32 $0x2;
	p4 =	por $0x1, $0x1;
	v13 =	vld.idx.msk [tilespmem:v12+s25+$0x0], $0xffff;
	v24 =	vmul.f32 $1.442695020e+00, v7;
	(erf) = vpow2.f32 v14;
	v14 =	vmov s28  }
0xf4: {  	_ =	sdelay $0x1  }
0xf5: {  	(erf) = vpow2.f32 v24  }
0xf6: {  	s9 =	simm.s32 $0x1;
	v7 =	vor.u32 s12, v0;
	vm0 =	vlt.s32 v22, v3;
	vm15 =	vlt.s32 v14, v3  }
0xf7: {  	s3 =	simm.s32 $0x80;
	v23 =	vld.idx.msk [tilespmem:v18+s25+$0x0], $0xffff;
	s22 =	simm.s32 $0xA0;
	v24 =	vmov s16;
	v19 =	vmov s9;
	v16 =	vsub.f32 v16, v4  }
0xf8: {  	s17 =	simm.s32 $0x90;
	v21 =	vor.u32 s3, v0;
	v20 =	vor.u32 s22, v0;
	vm1 =	vlt.s32 v19, v3  }
0xf9: {  	s28 =	simm.s32 $0x7;
	v19 =	vor.u32 s17, v0;
	v16 =	vmul.f32 $1.442695020e+00, v16;
	v13 =	vsub.f32 v13, v4;
	v22 =	vpop (erf)  }
0xfa: {  	p6 =	sgt.s32 s30, $0xC;
	v14 =	vmov s28;
	v17 =	vsub.f32 v17, v4;
	v22 =	vnsel vm0, $0x0, v22  }
.Ltmp12:
0xfb: {  	(erf) = vpow2.f32 v16;
	v13 =	vmul.f32 $1.442695020e+00, v13;
	v25 =	vpop (erf);
	v16 =	vadd.f32 v22, v5;
	(pc) =	sbr.rel @!p6 .LBB2_28-.Ltmp12, $4  }
0xfc: {  	vm14 =	vlt.s32 v24, v3;
	v23 =	vsub.f32 v23, v4;
	v25 =	vnsel vm1, $0x0, v25  }
0xfd: {  	v17 =	vmul.f32 $1.442695020e+00, v17;
	v24 =	vpop (erf);
	[tilespmem:v10+s25+$0x0] =	vst.idx.msk $0xffff, v22;
	(erf) = vpow2.f32 v13;
	v26 =	vadd.f32 v25, v16;
	v16 =	vld.idx.msk [tilespmem:v21+s25+$0x0], $0xffff  }
0xfe: {  	s12 =	simm.s32 $0xF0;
	v13 =	vld.idx.msk [tilespmem:v19+s25+$0x0], $0xffff;
	v22 =	vmov s4;
	v10 =	vnsel vm14, $0x0, v24;
	[tilespmem:v9+s25+$0x0] =	vst.idx.msk $0xffff, v25;
	v24 =	vmul.f32 $1.442695020e+00, v23;
	v9 =	vpop (erf)  }
0xff: {  	p5 =	por $0x1, $0x1;
	s9 =	simm.s32 $0xC;
	s16 =	simm.s32 $0x6;
	(erf) = vpow2.f32 v17;
	v17 =	vld.idx.msk [tilespmem:v20+s25+$0x0], $0xffff;
	[tilespmem:v8+s25+$0x0] =	vst.idx.msk $0xffff, v10;
	v23 =	vnsel vm15, $0x0, v9;
	v27 =	vadd.f32 v10, v26  }
.LBB2_29:
0x100: {  	s3 =	sadd.s32 $0xFFFFFFD0, s12;
	v8 =	vld.idx.msk [tilespmem:v7+s25+$0x0], $0xffff;
	s17 =	sadd.s32 $0x1, s4  }
0x101: {  	v9 =	vmov s16;
	(erf) = vpow2.f32 v24;
	[tilespmem:v6+s25+$0x0] =	vst.idx.msk $0xffff, v23;
	v10 =	vadd.f32 v23, v27;
	v6 =	vmovc v18;
	v18 =	vmovc v7;
	s4 =	smov.u32 s7;
	s7 =	smov.u32 s9;
	s9 =	sadd.s32 $0x4, s9  }
0x102: {  	v16 =	vsub.f32 v16, v4;
	v23 =	vor.u32 s3, v0;
	p6 =	slt.s32 s9, s30;
	v25 =	vmov s17  }
0x103: {  	v7 =	vor.u32 s12, v0;
	vm0 =	vlt.s32 v22, v3;
	s3 =	sadd.s32 $0xFFFFFFE0, s12;
	vm1 =	vlt.s32 v25, v3  }
0x104: {  	v22 =	vor.u32 s3, v0;
	s3 =	sadd.s32 $0xFFFFFFF0, s12;
	v16 =	vmul.f32 $1.442695020e+00, v16;
	v13 =	vsub.f32 v13, v4;
	v24 =	vpop (erf)  }
0x105: {  	v25 =	vor.u32 s3, v0;
	v17 =	vsub.f32 v17, v4;
	v24 =	vnsel vm0, $0x0, v24  }
0x106: {  	v13 =	vmul.f32 $1.442695020e+00, v13;
	(erf) = vpow2.f32 v16;
	[tilespmem:v15+s25+$0x0] =	vst.idx.msk $0xffff, v24;
	v10 =	vadd.f32 v24, v10;
	v15 =	vpop (erf)  }
.Ltmp13:
0x107: {  	vm0 =	vlt.s32 v9, v3;
	v28 =	vsub.f32 v8, v4;
	v16 =	vld.idx.msk [tilespmem:v23+s25+$0x0], $0xffff;
	v24 =	vnsel vm1, $0x0, v15;
	v15 =	vmovc v21;
	(pc) =	sbr.rel @p6 .LBB2_29-.Ltmp13, $4  }
0x108: {  	v9 =	vmul.f32 $1.442695020e+00, v17;
	(erf) = vpow2.f32 v13;
	[tilespmem:v12+s25+$0x0] =	vst.idx.msk $0xffff, v24;
	v10 =	vadd.f32 v24, v10;
	v12 =	vpop (erf)  }
0x109: {  	v21 =	vmovc v23;
	v13 =	vld.idx.msk [tilespmem:v22+s25+$0x0], $0xffff;
	v26 =	vnsel vm0, $0x0, v12;
	vm0 =	vlt.s32 v14, v3;
	v12 =	vmovc v19;
	v19 =	vmov v22  }
0x10a: {  	s3 =	sadd.s32 $0x3, s4;
	v24 =	vmul.f32 $1.442695020e+00, v28;
	v17 =	vld.idx.msk [tilespmem:v25+s25+$0x0], $0xffff;
	(erf) = vpow2.f32 v9;
	[tilespmem:v11+s25+$0x0] =	vst.idx.msk $0xffff, v26;
	v27 =	vadd.f32 v26, v10;
	v8 =	vpop (erf)  }
0x10b: {  	s16 =	sadd.s32 $0x2, s4;
	s12 =	sadd.s32 $0x40, s12;
	v22 =	vmov s4;
	v14 =	vmov s3;
	v11 =	vmovc v20;
	v20 =	vmovc v25;
	v23 =	vnsel vm0, $0x0, v8  }
0x10c: {  	v25 =	vmov v6;
	v6 =	vmov v18;
	v26 =	vmov v15  }
0x10d: {  	s9 =	smov.u32 s7;
	v10 =	vmovc v21;
	v21 =	vmovc v12;
	v9 =	vmov v19;
	v19 =	vmov v11;
	v8 =	vmov v20  }
.LBB2_31:
0x10e: {  	_ =	sdelay $0x2  }
0x10f: {  	(erf) = vpow2.f32 @p4 v24;
	v12 =	vsub.f32 v16, v4  }
0x110: {  	v11 =	vld.idx.msk [tilespmem:v7+s25+$0x0], $0xffff;
	v16 =	vadd.f32 @p5 v23, v27;
	v13 =	vsub.f32 v13, v4  }
0x111: {  	v15 =	vmov @p4 s16;
	s3 =	sadd.s32 @p4 $0x1, s4;
	vm0 =	vlt.s32 @p4 v22, v3;
	v12 =	vmul.f32 $1.442695020e+00, v12  }
0x112: {  	v18 =	vpop @p4 (erf);
	v20 =	vmov @p4 s3;
	v17 =	vsub.f32 v17, v4;
	v13 =	vmul.f32 $1.442695020e+00, v13  }
0x113: {  	v18 =	vnsel @p4 vm0, $0x0, v18;
	(erf) = vpow2.f32 v12;
	v12 =	vpsel p5, v16, v5  }
0x114: {  	vm0 =	vlt.s32 @p4 v20, v3;
	v17 =	vmul.f32 $1.442695020e+00, v17;
	v16 =	vpop @p4 (erf);
	v12 =	vadd.f32 @p4 v18, v12  }
0x115: {  	v11 =	vsub.f32 v11, v4;
	v16 =	vnsel @p4 vm0, $0x0, v16;
	(erf) = vpow2.f32 v13  }
0x116: {  	vm0 =	vlt.s32 @p4 v15, v3;
	v13 =	vpop @p4 (erf);
	v12 =	vadd.f32 @p4 v16, v12  }
0x117: {  	(erf) = vpow2.f32 v17;
	v13 =	vnsel @p4 vm0, $0x0, v13;
	v11 =	vmul.f32 $1.442695020e+00, v11  }
0x118: {  	vm0 =	vlt.s32 @p4 v14, v3;
	v12 =	vadd.f32 @p4 v13, v12;
	v14 =	vpop @p4 (erf)  }
0x119: {  	(erf) = vpow2.f32 v11;
	v14 =	vnsel @p4 vm0, $0x0, v14  }
0x11a: {  	v11 =	vpsel p4, v14, v0;
	v12 =	vpsel p4, v12, v0  }
0x11b: {  	v57 =	vmov s9;
	v6 =	vpsel p4, v6, v0;
	v12 =	vadd.f32 @p4 v11, v12  }
0x11c: {  	[tilespmem:v25+s25+$0x0] =	vst.idx.msk @p5 $0xffff, v23;
	s17 =	sadd.s32 $0x1, s9;
	vm12 =	vlt.s32 v57, v3;
	v58 =	vpop (erf)  }
0x11d: {  	v59 =	vmov s17;
	[tilespmem:v26+s25+$0x0] =	vst.idx.msk @p4 $0xffff, v18;
	v14 =	vnsel vm12, $0x0, v58;
	v5 =	vpsel p4, v12, v5  }
0x11e: {  	s22 =	sadd.s32 $0x2, s9;
	vm13 =	vlt.s32 v59, v3;
	[tilespmem:v21+s25+$0x0] =	vst.idx.msk @p4 $0xffff, v16;
	v60 =	vpop (erf);
	v5 =	vadd.f32 v14, v5  }
0x11f: {  	v61 =	vmov s22;
	[tilespmem:v19+s25+$0x0] =	vst.idx.msk @p4 $0xffff, v13;
	v12 =	vnsel vm13, $0x0, v60  }
.Ltmp14:
0x120: {  	s28 =	sadd.s32 $0x3, s9;
	vm14 =	vlt.s32 v61, v3;
	[tilespmem:v6+s25+$0x0] =	vst.idx.msk @p4 $0xffff, v11;
	v6 =	vpop (erf);
	v5 =	vadd.f32 v12, v5;
	(pc) =	sbr.rel .LBB2_8-.Ltmp14, $4  }
0x121: {  	v62 =	vmov s28;
	[tilespmem:v10+s25+$0x0] =	vst.idx.msk $0xffff, v14;
	v6 =	vnsel vm14, $0x0, v6  }
0x122: {  	vm15 =	vlt.s32 v62, v3;
	[tilespmem:v9+s25+$0x0] =	vst.idx.msk $0xffff, v12;
	v63 =	vpop (erf);
	v5 =	vadd.f32 v6, v5  }
0x123: {  	[tilespmem:v8+s25+$0x0] =	vst.idx.msk $0xffff, v6;
	v6 =	vnsel vm15, $0x0, v63  }
0x124: {  	[tilespmem:v7+s25+$0x0] =	vst.idx.msk $0xffff, v6;
	v5 =	vadd.f32 v6, v5  }
.LBB2_7:
0x125: {  	v5 =	vimm.f32 $0.0e+00  }
.LBB2_8:
.Ltmp15:
0x126: {  	(pc) =	sbr.rel @p2 .LBB2_10-.Ltmp15, $2  }
0x127: {  	_ =	sdelay $0x2  }
0x128: {  	s4 =	smov.u32 s0;
	s7 =	smov.u32 s31  }
.LBB2_9:
0x129: {  	v6 =	vor.u32 s4, v0;
	_ =	sdelay $0x4  }
0x12a: {  	v7 =	vld.idx.msk [tilespmem:v6+s25+$0x0], $0xffff;
	_ =	sdelay $0x4  }
0x12b: {  	v7 =	vsub.f32 v7, v4;
	_ =	sdelay $0x1  }
0x12c: {  	v7 =	vmul.f32 $1.442695020e+00, v7;
	_ =	sdelay $0x1  }
0x12d: {  	(erf) = vpow2.f32 v7;
	_ =	sdelay $0x4  }
0x12e: {  	s3 =	sadd.s32 s7, s29;
	s7 =	sadd.s32 $0x1, s7  }
0x12f: {  	p4 =	seq.s32 s7, $0x0;
	v7 =	vmov s3  }
.Ltmp16:
0x130: {  	_ = 	snop;
	(pc) =	sbr.rel @!p4 .LBB2_9-.Ltmp16, $4  }
0x131: {  	_ = 	snop  }
0x132: {  	vm0 =	vlt.s32 v7, v3;
	v7 =	vpop (erf)  }
0x133: {  	v7 =	vnsel vm0, $0x0, v7  }
0x134: {  	s4 =	sadd.s32 $0x10, s4;
	[tilespmem:v6+s25+$0x0] =	vst.idx.msk $0xffff, v7;
	v5 =	vadd.f32 v7, v5  }
.LBB2_10:
0x135: {  	s4 =	simm.s32 $0x1A840  }
0x136: {  	[tilespmem:s4+$0xFFFFFFC0] =	vst v2  }
0x137: {  	[tilespmem:s4+$0x30] =	vst v2  }
0x138: {  	[tilespmem:s4+$0x20] =	vst v2  }
0x139: {  	[tilespmem:s4+$0x10] =	vst v2  }
0x13a: {  	[tilespmem:s4+$0x0] =	vst v2  }
0x13b: {  	[tilespmem:s4+$0xFFFFFFF0] =	vst v2  }
0x13c: {  	s7 =	simm.s32 $0x0;
	[tilespmem:s4+$0xFFFFFFE0] =	vst v2  }
.LBB2_11:
0x13d: {  	s7 =	sadd.s32 $0x8, s7;
	[tilespmem:s4+$0xFFFFFFD0] =	vst v2;
	s4 =	sadd.s32 $0x80, s4  }
0x13e: {  	[tilespmem:s4+$0xFFFFFFC0] =	vst v2;
	p4 =	slt.u32 s7, $0x78  }
0x13f: {  	[tilespmem:s4+$0x30] =	vst v2  }
.Ltmp17:
0x140: {  	[tilespmem:s4+$0x20] =	vst v2;
	(pc) =	sbr.rel @p4 .LBB2_11-.Ltmp17, $4  }
0x141: {  	[tilespmem:s4+$0x10] =	vst v2  }
0x142: {  	[tilespmem:s4+$0x0] =	vst v2  }
0x143: {  	[tilespmem:s4+$0xFFFFFFF0] =	vst v2  }
0x144: {  	[tilespmem:s4+$0xFFFFFFE0] =	vst v2  }
0x145: {  	vm0 =	vgt.f32 v5, $0.0e+00  }
0x146: {  	v4 =	vnsel vm0, $0x3F800000, v5  }
0x147: {  	(erf) = vrcp.f32 v4;
	_ =	sdelay $0x4  }
.Ltmp18:
0x148: {  	_ = 	snop;
	(pc) =	sbr.rel @!p3 .LBB2_16-.Ltmp18, $2  }
0x149: {  	_ =	sdelay $0x2  }
0x14a: {  	[tilespmem:s4+$0xFFFFFFD0] =	vst v2;
	s4 =	simm.s32 $0x0;
	s7 =	simm.s32 $0x0;
	v4 =	vpop (erf)  }
.LBB2_13:
0x14b: {  	s3 =	sshll.u32 s7, $0x4  }
0x14c: {  	v6 =	vor.u32 s3, v0;
	_ =	sdelay $0x4  }
0x14d: {  	s17 =	simm.s32 $0x4;
	v5 =	vld.idx.msk [tilespmem:v6+s18+$0x0], $0xffff  }
0x14e: {  	v7 =	vmov s7;
	s9 =	simm.s32 $0x5;
	s22 =	simm.s32 $0x1;
	v8 =	vmov s17  }
0x14f: {  	s28 =	simm.s32 $0x6;
	s12 =	simm.s32 $0x3;
	vm0 =	vlt.s32 v7, v3;
	v7 =	vmov s9;
	v9 =	vmov s22  }
0x150: {  	v10 =	vmov s28;
	s9 =	simm.s32 $0x2;
	v12 =	vmov s12;
	v8 =	vand.u32 $0x7C, v8  }
0x151: {  	v7 =	vand.u32 $0x7D, v7;
	v11 =	vmov s9;
	s9 =	simm.s32 $0x1A840;
	v8 =	vbroadcast v8, $0x0  }
0x152: {  	v9 =	vand.u32 $0x79, v9;
	v7 =	vbroadcast v7, $0x0;
	v14 =	vld [tilespmem:s9+$0x10];
	v5 =	vshll.u32 v5, $0x7  }
0x153: {  	v9 =	vbroadcast v9, $0x0;
	v11 =	vand.u32 $0x7A, v11;
	v16 =	vld [tilespmem:s9+$0x0];
	v8 =	vor.u32 v5, v8  }
0x154: {  	v10 =	vand.u32 $0x7E, v10;
	v21 =	vld [tilespmem:s9+$0xFFFFFFD0];
	v11 =	vbroadcast v11, $0x0;
	v7 =	vor.u32 v5, v7  }
0x155: {  	v12 =	vand.u32 $0x7B, v12;
	v10 =	vbroadcast v10, $0x0;
	v23 =	vld [tilespmem:s9+$0xFFFFFFE0];
	v9 =	vor.u32 v5, v9  }
0x156: {  	v13 =	vmov s4;
	v12 =	vbroadcast v12, $0x0;
	v24 =	vld [tilespmem:s9+$0x20];
	v11 =	vor.u32 v5, v11  }
0x157: {  	v13 =	vand.u32 $0x78, v13;
	s17 =	simm.s32 $0x9;
	v6 =	vld.idx.msk [tilespmem:v6+s25+$0x0], $0xffff;
	v10 =	vor.u32 v5, v10  }
0x158: {  	s16 =	simm.s32 $0x7;
	s12 =	simm.s32 $0xA;
	s28 =	simm.s32 $0xD;
	v13 =	vbroadcast v13, $0x0;
	v17 =	vmov s17;
	v12 =	vor.u32 v5, v12;
	v8 =	vld.idx.msk [tilespmem:v8+s23+$0x0], vm0  }
0x159: {  	v18 =	vmov s12;
	v20 =	vmov s28;
	v15 =	vor.u32 s16, v5;
	v7 =	vld.idx.msk [tilespmem:v7+s23+$0x0], vm0  }
0x15a: {  	s22 =	simm.s32 $0xC;
	s17 =	simm.s32 $0xB;
	v20 =	vand.u32 $0x7D, v20;
	v17 =	vand.u32 $0x79, v17;
	v13 =	vor.u32 v5, v13;
	v9 =	vld.idx.msk [tilespmem:v9+s23+$0x0], vm0  }
0x15b: {  	v18 =	vand.u32 $0x7A, v18;
	v61 =	vmov s17;
	v19 =	vld.idx.msk [tilespmem:v11+s23+$0x0], vm0;
	v11 =	vmov s22  }
0x15c: {  	v17 =	vbroadcast v17, $0x0;
	v6 =	vmul.f32 v6, v4;
	s16 =	simm.s32 $0xE;
	v10 =	vld.idx.msk [tilespmem:v10+s23+$0x0], vm0;
	v11 =	vand.u32 $0x7C, v11  }
0x15d: {  	v20 =	vbroadcast v20, $0x0;
	v22 =	vmov s16;
	v12 =	vld.idx.msk [tilespmem:v12+s23+$0x0], vm0;
	v11 =	vbroadcast v11, $0x0  }
0x15e: {  	v17 =	vor.u32 v5, v17;
	v22 =	vand.u32 $0x7E, v22;
	v25 =	vld.idx.msk [tilespmem:v15+s23+$0x0], vm0;
	v8 =	vmul.f32 v8, v6  }
0x15f: {  	v15 =	vbroadcast v22, $0x0;
	v60 =	vld.idx.msk [tilespmem:v13+s23+$0x0], vm0;
	v11 =	vor.u32 v5, v11;
	v9 =	vmul.f32 v9, v6  }
0x160: {  	v7 =	vmul.f32 v7, v6;
	v8 =	vadd.f32 v8, v16;
	v16 =	vor.u32 v5, v20;
	v20 =	vld [tilespmem:s9+$0xFFFFFFF0]  }
0x161: {  	v26 =	vor.u32 v5, v15;
	v13 =	vmul.f32 v10, v6;
	v10 =	vld [tilespmem:s9+$0xFFFFFFC0];
	v9 =	vadd.f32 v9, v21  }
0x162: {  	v12 =	vmul.f32 v12, v6;
	v7 =	vadd.f32 v7, v14;
	v14 =	vbroadcast v18, $0x0;
	v18 =	vld [tilespmem:s9+$0x30]  }
0x163: {  	v15 =	vand.u32 $0x7B, v61;
	v25 =	vmul.f32 v25, v6;
	v62 =	vadd.f32 v13, v24;
	v13 =	vld.idx.msk [tilespmem:v17+s23+$0x0], vm0;
	[tilespmem:s9+$0xFFFFFFD0] =	vst v9  }
0x164: {  	s28 =	simm.s32 $0x8;
	v63 =	vbroadcast v15, $0x0;
	v17 =	vmul.f32 v60, v6;
	v11 =	vld.idx.msk [tilespmem:v11+s23+$0x0], vm0;
	[tilespmem:s9+$0x10] =	vst v7;
	v15 =	vor.u32 v5, v14  }
0x165: {  	s22 =	simm.s32 $0xF;
	[tilespmem:s9+$0x0] =	vst v8;
	v8 =	vmov s28;
	v9 =	vld.idx.msk [tilespmem:v16+s23+$0x0], vm0;
	v16 =	vmul.f32 v19, v6;
	v20 =	vadd.f32 v12, v20  }
0x166: {  	s12 =	simm.s32 $0x1A8C0;
	v7 =	vor.u32 s22, v5;
	v14 =	vor.u32 v5, v63;
	[tilespmem:s9+$0x20] =	vst v62;
	v12 =	vand.u32 $0x78, v8;
	v8 =	vld.idx.msk [tilespmem:v26+s23+$0x0], vm0  }
0x167: {  	s16 =	simm.s32 $0x10;
	v18 =	vadd.f32 v25, v18;
	v19 =	vadd.f32 v16, v23;
	v16 =	vbroadcast v12, $0x0;
	v12 =	vld [tilespmem:s12+$0x10];
	[tilespmem:s9+$0xFFFFFFF0] =	vst v20  }
.LBB2_14:
0x168: {  	s3 =	sadd.s32 $0x1, s16  }
0x169: {  	s17 =	sadd.s32 $0x2, s16;
	s28 =	sadd.s32 $0x3, s16;
	v20 =	vld [tilespmem:s12+$0x0];
	v10 =	vadd.f32 v17, v10;
	[tilespmem:s9+$0xFFFFFFE0] =	vst v19;
	s22 =	sadd.s32 $0x6, s16;
	v17 =	vmov s3  }
0x16a: {  	v11 =	vmul.f32 v11, v6;
	v19 =	vmov s17;
	s3 =	sadd.s32 $0x4, s16;
	s17 =	sadd.s32 $0x5, s16;
	v21 =	vld.idx.msk [tilespmem:v15+s23+$0x0], vm0;
	[tilespmem:s9+$0x30] =	vst v18;
	v22 =	vmov s22  }
0x16b: {  	p4 =	slt.u32 s16, $0x78;
	v15 =	vmov s3;
	v18 =	vmov s17;
	v23 =	vld [tilespmem:s12+$0xFFFFFFD0];
	[tilespmem:s9+$0xFFFFFFC0] =	vst v10;
	s3 =	smov.u32 s16;
	s16 =	sadd.s32 $0x8, s16  }
0x16c: {  	v16 =	vor.u32 v5, v16;
	s9 =	smov.u32 s12;
	v10 =	vand.u32 $0x7C, v15;
	v15 =	vand.u32 $0x7D, v18;
	v14 =	vld.idx.msk [tilespmem:v14+s23+$0x0], vm0  }
0x16d: {  	v17 =	vand.u32 $0x79, v17;
	v13 =	vmul.f32 v13, v6;
	v10 =	vbroadcast v10, $0x0;
	v18 =	vld [tilespmem:s12+$0xFFFFFFE0]  }
0x16e: {  	v9 =	vmul.f32 v9, v6;
	v22 =	vand.u32 $0x7E, v22;
	v15 =	vbroadcast v15, $0x0;
	v24 =	vld [tilespmem:s12+$0x20]  }
0x16f: {  	v17 =	vbroadcast v17, $0x0;
	v20 =	vadd.f32 v11, v20;
	v25 =	vor.u32 v5, v10;
	v26 =	vld.idx.msk [tilespmem:v7+s23+$0x0], vm0  }
0x170: {  	v27 =	vor.u32 v5, v15;
	v7 =	vbroadcast v22, $0x0;
	v11 =	vadd.f32 v13, v23;
	v22 =	vld [tilespmem:s12+$0xFFFFFFF0]  }
0x171: {  	v8 =	vmul.f32 v8, v6;
	v9 =	vadd.f32 v9, v12;
	v13 =	vor.u32 v5, v17;
	v16 =	vld.idx.msk [tilespmem:v16+s23+$0x0], vm0  }
0x172: {  	v12 =	vand.u32 $0x7A, v19;
	v15 =	vmov s28;
	v17 =	vor.u32 v5, v7;
	v10 =	vld [tilespmem:s12+$0xFFFFFFC0];
	[tilespmem:s12+$0xFFFFFFD0] =	vst v11  }
0x173: {  	s17 =	sadd.s32 $0x7, s3;
	v12 =	vbroadcast v12, $0x0;
	v7 =	vand.u32 $0x7B, v15;
	[tilespmem:s12+$0x10] =	vst v9;
	v8 =	vadd.f32 v8, v24;
	v23 =	vld [tilespmem:s12+$0x30]  }
.Ltmp19:
0x174: {  	v19 =	vbroadcast v7, $0x0;
	v7 =	vor.u32 s17, v5;
	v24 =	vmul.f32 v14, v6;
	v11 =	vld.idx.msk [tilespmem:v25+s23+$0x0], vm0;
	[tilespmem:s12+$0x0] =	vst v20;
	(pc) =	sbr.rel @p4 .LBB2_14-.Ltmp19, $4  }
0x175: {  	v15 =	vor.u32 v5, v12;
	v12 =	vmul.f32 v21, v6;
	v20 =	vmul.f32 v26, v6;
	v9 =	vld.idx.msk [tilespmem:v27+s23+$0x0], vm0  }
0x176: {  	v21 =	vmov s3;
	v14 =	vor.u32 v5, v19;
	v22 =	vadd.f32 v24, v22;
	v13 =	vld.idx.msk [tilespmem:v13+s23+$0x0], vm0;
	[tilespmem:s12+$0x20] =	vst v8  }
0x177: {  	v21 =	vand.u32 $0x78, v21;
	v19 =	vadd.f32 v12, v18;
	s12 =	sadd.s32 $0x80, s12;
	v8 =	vld.idx.msk [tilespmem:v17+s23+$0x0], vm0;
	v17 =	vmul.f32 v16, v6  }
0x178: {  	v16 =	vbroadcast v21, $0x0;
	v12 =	vld [tilespmem:s12+$0x10];
	[tilespmem:s9+$0xFFFFFFF0] =	vst v22;
	v18 =	vadd.f32 v20, v23  }
0x179: {  	_ =	sdelay $0x3  }
0x17a: {  	v20 =	vld [tilespmem:s12+$0x0]  }
0x17b: {  	v15 =	vld.idx.msk [tilespmem:v15+s23+$0x0], vm0  }
0x17c: {  	v21 =	vld [tilespmem:s12+$0xFFFFFFD0]  }
0x17d: {  	v14 =	vld.idx.msk [tilespmem:v14+s23+$0x0], vm0;
	v5 =	vor.u32 v5, v16  }
0x17e: {  	v22 =	vld [tilespmem:s12+$0x20]  }
0x17f: {  	v7 =	vld.idx.msk [tilespmem:v7+s23+$0x0], vm0  }
0x180: {  	v58 =	vld [tilespmem:s12+$0xFFFFFFF0];
	v9 =	vmul.f32 v9, v6  }
0x181: {  	v10 =	vadd.f32 v17, v10;
	[tilespmem:s9+$0xFFFFFFE0] =	vst v19;
	v59 =	vld [tilespmem:s12+$0x30];
	v13 =	vmul.f32 v13, v6  }
0x182: {  	v11 =	vmul.f32 v11, v6;
	[tilespmem:s9+$0x30] =	vst v18;
	v9 =	vadd.f32 v9, v12;
	v5 =	vld.idx.msk [tilespmem:v5+s23+$0x0], vm0  }
0x183: {  	v57 =	vld [tilespmem:s12+$0xFFFFFFE0];
	[tilespmem:s9+$0xFFFFFFC0] =	vst v10;
	v8 =	vmul.f32 v8, v6;
	v13 =	vadd.f32 v13, v21  }
0x184: {  	v60 =	vld [tilespmem:s12+$0xFFFFFFC0];
	v11 =	vadd.f32 v11, v20;
	v61 =	vmul.f32 v14, v6;
	[tilespmem:s12+$0x10] =	vst v9  }
0x185: {  	s7 =	sadd.s32 $0x1, s7;
	v8 =	vadd.f32 v8, v22;
	v7 =	vmul.f32 v7, v6;
	[tilespmem:s12+$0xFFFFFFD0] =	vst v13  }
0x186: {  	p4 =	sne.s32 s7, s29;
	v62 =	vmul.f32 v15, v6;
	[tilespmem:s12+$0x0] =	vst v11;
	v63 =	vadd.f32 v61, v58  }
.Ltmp20:
0x187: {  	[tilespmem:s12+$0x20] =	vst v8;
	v7 =	vadd.f32 v7, v59;
	v5 =	vmul.f32 v5, v6;
	(pc) =	sbr.rel @p4 .LBB2_13-.Ltmp20, $4  }
.Ltmp21:
0x188: {  	[tilespmem:s12+$0xFFFFFFF0] =	vst v63;
	v6 =	vadd.f32 v62, v57;
	(pc) =	sbr.rel @!p4 .LBB2_16-.Ltmp21, $4  }
0x189: {  	[tilespmem:s12+$0x30] =	vst v7;
	v5 =	vadd.f32 v5, v60  }
0x18a: {  	[tilespmem:s12+$0xFFFFFFE0] =	vst v6  }
0x18b: {  	[tilespmem:s12+$0xFFFFFFC0] =	vst v5  }
0x18c: {  	_ = 	snop  }
.LBB2_24:
.Ltmp22:
0x18d: {  	(pc) =	sbr.rel .LBB2_31-.Ltmp22, $2  }
0x18e: {  	_ =	sdelay $0x2  }
0x18f: {  	v7 =	vmov v6  }
.LBB2_26:
.Ltmp23:
0x190: {  	(pc) =	sbr.rel .LBB2_31-.Ltmp23, $3  }
0x191: {  	_ =	sdelay $0x1  }
0x192: {  	v26 =	vmov v10;
	v21 =	vmov v9  }
0x193: {  	v19 =	vmovc v8;
	v7 =	vmovc v18;
	s4 =	simm.s32 $0x0;
	s9 =	simm.s32 $0x4;
	v10 =	vmov v15;
	v9 =	vmov v12;
	v8 =	vmov v11  }
.LBB2_28:
.Ltmp24:
0x194: {  	(pc) =	sbr.rel .LBB2_31-.Ltmp24, $3  }
0x195: {  	_ =	sdelay $0x1  }
0x196: {  	v25 =	vmov v6;
	v6 =	vmov v18;
	v26 =	vmov v15  }
0x197: {  	s9 =	simm.s32 $0x8;
	v10 =	vmovc v21;
	v21 =	vmovc v12;
	v9 =	vmov v19;
	v19 =	vmov v11;
	v8 =	vmov v20  }
.LBB2_18:
0x198: {  	_ =	sfence.sel $0x180000  }
0x199: {  	[bflag:$0x0] =	sbarrier.arrive $0xFFFF  }
0x19a: {  	_ =	strace $0x90000047  }
0x19b: {  	s0 =	stileid.u32;
	[bflag:$0x2] =	sbarrier.arrive $0xFFFF  }
0x19c: {  	p0 =	sne.s32 s0, $0x0;
	s0 =	rddreg [dreg:$0x3]  }
0x19d: {  	s0 =	sadd.s32 @!p0 $0x100000, s0  }
0x19e: {  	[sflag:s0] =	ssyncadd.tile.s32 @!p0 $0x1;
	_ =	shalt  }
.Lfunc_end2:
_tile_overlayer_lowered:
.L_overlay_start_2:
0x19f: {  	(tag) =	ssettag $0x2  }
0x1a0: {  	s0 =	rddreg [dreg:$0x0];
	s2 =	stileid.u32  }
0x1a1: {  	s1 =	rddreg [dreg:$0x1];
	p0 =	sne.s32 s2, $0x0  }
0x1a2: {  	s3 =	rddreg [dreg:$0x2];
	[bflag:$0x3] =	sbarrier.arrive $0xFFFF;
	s2 =	simm.s32 @!p0 $0x1C01  }
0x1a3: {  	[timem:s3], [sflag:s2] =	dma.local @!p0 [hbm:s0], s1  }
0x1a4: {  	s0 =	simm.s32 @!p0 $0x1  }
0x1a5: {  	_ =	swait.ge @!p0 [sflag:s0], s1  }
0x1a6: {  	s1 =	ssub.s32 @!p0 $0x0, s1;
	[sflag:s0] =	ssyncset.done @!p0 $0x0  }
0x1a7: {  	[sflag:s0] =	ssyncadd.s32 @!p0 s1  }
0x1a8: {  	[bflag:$0x3] =	sbarrier.arrive $0xFFFF  }
0x1a9: {  	_ =	shalt  }

</sc_bundles>
